<compile_context>
chip_gen: v7x
topology: tpu7x:2x2x1
jax: 0.10.2.dev20260603
libtpu: 0.0.44.dev20260713+nightly
codegen_flags: <defaults>
</compile_context>

<pallas_src>
import jax
import jax.numpy as jnp
from jax import lax
from jax.experimental import pallas as pl
from jax.experimental.pallas import tpu as pltpu
from jax.experimental.pallas import tpu_sc as plsc

NC = 2
NS = 16
NW = NC * NS

B_ROWS = 16384
B_COLS = 200
D = 64
PLANES_PER_W = B_ROWS // NW
K = 4
CHUNK = K * B_COLS
NCH = PLANES_PER_W // K
NPAIR = NCH // 2
GATHER_SPLITS = ((0, 128), (128, B_COLS - 128))


def _body(x_hbm, w_hbm, out_hbm, idx_v, rows_v, gsem0, gsem1, ssem0, ssem1, isem):
    c = lax.axis_index("c")
    s_ax = lax.axis_index("s")
    wid = s_ax * NC + c
    p0 = wid * PLANES_PER_W

    gsems = (gsem0, gsem1)
    ssems = (ssem0, ssem1)

    def stage_idx(i, b, sync):
        src = x_hbm.at[pl.ds(p0 + i * K, K)]
        if sync:
            pltpu.sync_copy(src, idx_v.at[b])
        else:
            pltpu.async_copy(src, idx_v.at[b], isem)

    def wait_idx(b):
        pltpu.make_async_copy(
            x_hbm.at[pl.ds(p0, K)], idx_v.at[b], isem
        ).wait()

    def fire_gathers(b):
        for k in range(K):
            for off, n in GATHER_SPLITS:
                pltpu.async_copy(
                    w_hbm.at[idx_v.at[b, k, pl.ds(off, n)]],
                    rows_v.at[b, k, pl.ds(off, n)],
                    gsems[b],
                )

    def drain_gathers(b):
        for k in range(K):
            for off, n in GATHER_SPLITS:
                pltpu.make_async_copy(
                    w_hbm.at[idx_v.at[b, k, pl.ds(off, n)]],
                    rows_v.at[b, k, pl.ds(off, n)],
                    gsems[b],
                ).wait()

    def issue_store(i, b):
        pltpu.async_copy(
            rows_v.at[b],
            out_hbm.at[pl.ds(p0 + i * K, K), slice(None), pl.ds(0, D)],
            ssems[b],
        )

    def drain_store(b):
        pltpu.make_async_copy(
            rows_v.at[b],
            out_hbm.at[pl.ds(p0, K), slice(None), pl.ds(0, D)],
            ssems[b],
        ).wait()

    stage_idx(0, 0, sync=True)

    def pair(p, carry):
        i0 = 2 * p
        @pl.when(p > 0)
        def _():
            drain_store(0)
            wait_idx(0)

        fire_gathers(0)

        @pl.when(p > 0)
        def _():
            drain_gathers(1)
            issue_store(i0 - 1, 1)

        stage_idx(i0 + 1, 1, sync=False)

        @pl.when(p > 0)
        def _():
            drain_store(1)

        wait_idx(1)
        fire_gathers(1)
        drain_gathers(0)
        issue_store(i0, 0)

        @pl.when(p < NPAIR - 1)
        def _():
            stage_idx(i0 + 2, 0, sync=False)

        return carry

    lax.fori_loop(0, NPAIR, pair, 0)
    drain_gathers(1)
    issue_store(NCH - 1, 1)
    drain_store(0)
    drain_store(1)


@jax.jit
def kernel(x, W):
    xi = x.astype(jnp.int32)
    mesh = plsc.VectorSubcoreMesh(
        core_axis_name="c", subcore_axis_name="s", num_cores=NC, num_subcores=NS
    )
    out = pl.kernel(
        _body,
        out_type=jax.ShapeDtypeStruct((B_ROWS, B_COLS, 2 * D), jnp.float32),
        mesh=mesh,
        scratch_types=[
            pltpu.VMEM((2, K, B_COLS), jnp.int32),
            pltpu.VMEM((2, K, B_COLS, D), jnp.float32),
            pltpu.SemaphoreType.DMA,
            pltpu.SemaphoreType.DMA,
            pltpu.SemaphoreType.DMA,
            pltpu.SemaphoreType.DMA,
            pltpu.SemaphoreType.DMA,
        ],
        compiler_params=pltpu.CompilerParams(use_tc_tiling_on_sc=False),
    )(xi, W)
    return out[:, :, :D]

# --- scband reference (transcript-rebuilt; emitter-appended) ---
"""Pipeline reference for scband-fixed-embedding-39041252720769 (READ-ONLY COPY).

The authoritative reference and input builder live on the scoring server;
editing this copy changes nothing except your own understanding.
"""

import jax, jax.numpy as jnp
import numpy as np
import math

C_IN = 100000
D_MODEL = 64

def _build_fixed_table():
    position = jnp.arange(0, C_IN, dtype=jnp.float32)[:, None]
    div_term = jnp.exp(jnp.arange(0, D_MODEL, 2, dtype=jnp.float32) * (-(math.log(10000.0) / D_MODEL)))
    w = jnp.zeros((C_IN, D_MODEL), dtype=jnp.float32)
    w = w.at[:, 0::2].set(jnp.sin(position * div_term))
    w = w.at[:, 1::2].set(jnp.cos(position * div_term))
    return w

def setup_inputs(seed: int = 0) -> dict:
    key = jax.random.key(seed)
    x = jax.random.randint(key, (16384, 200), 0, C_IN, dtype=jnp.int64)
    W = _build_fixed_table()
    return {"x": x, "W": W}

def reference(x, W):
    # nn.Embedding lookup on a fixed (non-trainable) sinusoidal table, output detached
    out = jnp.take(W, x, axis=0)
    return jax.lax.stop_gradient(out)

if __name__ == "__main__":
    import jax
    _d = setup_inputs()
    print(jax.jit(kernel)(*tuple(_d.values())))

</pallas_src>

<mosaic_0001>
#map = affine_map<(d0, d1) -> (0, 0)>
#map1 = affine_map<(d0, d1) -> (0, 0, 0)>
module attributes {stable_mosaic.version = 14 : i64} {
  func.func @_body(%arg0: i32, %arg1: i32, %arg2: memref<16384x200xi32, #tpu.memory_space<hbm>>, %arg3: memref<100000x64xf32, #tpu.memory_space<hbm>>, %arg4: memref<16384x200x128xf32, #tpu.memory_space<hbm>>, %arg5: memref<2x4x200xi32, #tpu.memory_space<vmem>>, %arg6: memref<2x4x200x64xf32, #tpu.memory_space<vmem>>, %arg7: memref<!tpu.dma_semaphore, #tpu.memory_space<semaphore_mem>>, %arg8: memref<!tpu.dma_semaphore, #tpu.memory_space<semaphore_mem>>, %arg9: memref<!tpu.dma_semaphore, #tpu.memory_space<semaphore_mem>>, %arg10: memref<!tpu.dma_semaphore, #tpu.memory_space<semaphore_mem>>, %arg11: memref<!tpu.dma_semaphore, #tpu.memory_space<semaphore_mem>>) attributes {dimension_semantics = [#tpu.dimension_semantics<core_parallel>, #tpu.dimension_semantics<subcore_parallel>], iteration_bounds = array<i64: 2, 16>, scalar_prefetch = 0 : i64, scratch_operands = 7 : i64, tpu.core_type = #tpu.core_type<sc_vector_subcore>, window_params = [{transform_indices = #map}, {transform_indices = #map}, {transform_indices = #map1}]} {
    %mul3A = arith.constant 2 : i32
    %mul3A_0 = arith.muli %arg1, %mul3A : i32
    %add3A = arith.addi %mul3A_0, %arg0 : i32
    %mul3A_1 = arith.constant 512 : i32
    %mul3A_2 = arith.muli %add3A, %mul3A_1 : i32
    %add3A_3 = arith.constant 0 : i32
    %add3A_4 = arith.addi %mul3A_2, %add3A_3 : i32
    %run_scoped3A = arith.constant 0 : i32
    "tpu.region"() ({
      %run_scoped3A_173 = tpu.sem_alloc : memref<!tpu.dma_semaphore, #tpu.memory_space<semaphore_mem>>
      %dma_start3A_174 = arith.constant 0 : i32
      %dma_start3A_175 = arith.constant 0 : i32
      %dma_start3A_176 = tpu.memref_slice %arg5[%run_scoped3A, %dma_start3A_174, %dma_start3A_175] : memref<2x4x200xi32, #tpu.memory_space<vmem>> -> memref<1x4x200xi32, #tpu.memory_space<vmem>>
      %dma_start3A_177 = tpu.memref_squeeze %dma_start3A_176 : memref<1x4x200xi32, #tpu.memory_space<vmem>> -> memref<4x200xi32, #tpu.memory_space<vmem>>
      %dma_start3A_178 = arith.constant 0 : i32
      %dma_start3A_179 = tpu.memref_slice %arg2[%add3A_4, %dma_start3A_178] : memref<16384x200xi32, #tpu.memory_space<hbm>> -> memref<4x200xi32, #tpu.memory_space<hbm>>
      %dma_start3A_180 = arith.constant 0 : i32
      %dma_start3A_181 = arith.constant 0 : i32
      %dma_start3A_182 = tpu.memref_slice %arg5[%run_scoped3A, %dma_start3A_180, %dma_start3A_181] : memref<2x4x200xi32, #tpu.memory_space<vmem>> -> memref<1x4x200xi32, #tpu.memory_space<vmem>>
      %dma_start3A_183 = tpu.memref_squeeze %dma_start3A_182 : memref<1x4x200xi32, #tpu.memory_space<vmem>> -> memref<4x200xi32, #tpu.memory_space<vmem>>
      %dma_start3A_184 = arith.constant 0 : i32
      %dma_start3A_185 = tpu.memref_slice %arg2[%add3A_4, %dma_start3A_184] : memref<16384x200xi32, #tpu.memory_space<hbm>> -> memref<4x200xi32, #tpu.memory_space<hbm>>
      tpu.enqueue_dma source(%dma_start3A_185 : memref<4x200xi32, #tpu.memory_space<hbm>>) target(%dma_start3A_183 : memref<4x200xi32, #tpu.memory_space<vmem>>) target_semaphore(%run_scoped3A_173 : memref<!tpu.dma_semaphore, #tpu.memory_space<semaphore_mem>>)
      %dma_wait3A_186 = arith.constant 0 : i32
      %dma_wait3A_187 = arith.constant 0 : i32
      %dma_wait3A_188 = tpu.memref_slice %arg5[%run_scoped3A, %dma_wait3A_186, %dma_wait3A_187] : memref<2x4x200xi32, #tpu.memory_space<vmem>> -> memref<1x4x200xi32, #tpu.memory_space<vmem>>
      %dma_wait3A_189 = tpu.memref_squeeze %dma_wait3A_188 : memref<1x4x200xi32, #tpu.memory_space<vmem>> -> memref<4x200xi32, #tpu.memory_space<vmem>>
      %dma_wait3A_190 = arith.constant 0 : i32
      %dma_wait3A_191 = tpu.memref_slice %arg2[%add3A_4, %dma_wait3A_190] : memref<16384x200xi32, #tpu.memory_space<hbm>> -> memref<4x200xi32, #tpu.memory_space<hbm>>
      %dma_wait3A_192 = arith.constant 0 : i32
      %dma_wait3A_193 = arith.constant 0 : i32
      %dma_wait3A_194 = tpu.memref_slice %arg5[%run_scoped3A, %dma_wait3A_192, %dma_wait3A_193] : memref<2x4x200xi32, #tpu.memory_space<vmem>> -> memref<1x4x200xi32, #tpu.memory_space<vmem>>
      %dma_wait3A_195 = tpu.memref_squeeze %dma_wait3A_194 : memref<1x4x200xi32, #tpu.memory_space<vmem>> -> memref<4x200xi32, #tpu.memory_space<vmem>>
      %dma_wait3A_196 = arith.constant 0 : i32
      %dma_wait3A_197 = tpu.memref_slice %arg2[%add3A_4, %dma_wait3A_196] : memref<16384x200xi32, #tpu.memory_space<hbm>> -> memref<4x200xi32, #tpu.memory_space<hbm>>
      tpu.wait_dma2 semaphore(%run_scoped3A_173 : memref<!tpu.dma_semaphore, #tpu.memory_space<semaphore_mem>>) src(%dma_wait3A_197 : memref<4x200xi32, #tpu.memory_space<hbm>>) dst(%dma_wait3A_195 : memref<4x200xi32, #tpu.memory_space<vmem>>)
      tpu.yield
    }) : () -> ()
    %scan3A = arith.constant 0 : i32
    %scan3A_5 = arith.constant 0 : i32
    %scan3A_6 = arith.constant 64 : i32
    %scan3A_7 = arith.addi %scan3A_5, %scan3A_6 : i32
    %scan3A_8 = arith.constant 1 : i32
    scf.for %scan3A_173 = %scan3A_5 to %scan3A_7 step %scan3A_8  : i32 {
      %mul3A_174 = arith.constant 2 : i32
      %mul3A_175 = arith.muli %mul3A_174, %scan3A_173 : i32
      %gt3A = arith.constant 0 : i32
      %gt3A_176 = arith.cmpi sgt, %scan3A_173, %gt3A : i32
      %convert_element_type3A = arith.extui %gt3A_176 : i1 to i32
      %cond3A = arith.constant 0 : i32
      %cond3A_177 = arith.cmpi ne, %convert_element_type3A, %cond3A : i32
      scf.if %cond3A_177 {
        %dma_wait3A_579 = arith.constant 0 : i32
        %dma_wait3A_580 = arith.constant 0 : i32
        %dma_wait3A_581 = arith.constant 0 : i32
        %dma_wait3A_582 = arith.constant 0 : i32
        %dma_wait3A_583 = tpu.memref_slice %arg6[%dma_wait3A_579, %dma_wait3A_580, %dma_wait3A_581, %dma_wait3A_582] : memref<2x4x200x64xf32, #tpu.memory_space<vmem>> -> memref<1x4x200x64xf32, #tpu.memory_space<vmem>>
        %dma_wait3A_584 = tpu.memref_squeeze %dma_wait3A_583 : memref<1x4x200x64xf32, #tpu.memory_space<vmem>> -> memref<4x200x64xf32, #tpu.memory_space<vmem>>
        %dma_wait3A_585 = arith.constant 0 : i32
        %dma_wait3A_586 = arith.constant 0 : i32
        %dma_wait3A_587 = tpu.memref_slice %arg4[%mul3A_2, %dma_wait3A_585, %dma_wait3A_586] : memref<16384x200x128xf32, #tpu.memory_space<hbm>> -> memref<4x200x64xf32, #tpu.memory_space<hbm>>
        %dma_wait3A_588 = arith.constant 0 : i32
        %dma_wait3A_589 = arith.constant 0 : i32
        %dma_wait3A_590 = tpu.memref_slice %arg4[%mul3A_2, %dma_wait3A_588, %dma_wait3A_589] : memref<16384x200x128xf32, #tpu.memory_space<hbm>> -> memref<4x200x64xf32, #tpu.memory_space<hbm>>
        %dma_wait3A_591 = arith.constant 0 : i32
        %dma_wait3A_592 = arith.constant 0 : i32
        %dma_wait3A_593 = arith.constant 0 : i32
        %dma_wait3A_594 = tpu.memref_slice %arg6[%dma_wait3A_579, %dma_wait3A_591, %dma_wait3A_592, %dma_wait3A_593] : memref<2x4x200x64xf32, #tpu.memory_space<vmem>> -> memref<1x4x200x64xf32, #tpu.memory_space<vmem>>
        %dma_wait3A_595 = tpu.memref_squeeze %dma_wait3A_594 : memref<1x4x200x64xf32, #tpu.memory_space<vmem>> -> memref<4x200x64xf32, #tpu.memory_space<vmem>>
        tpu.wait_dma2 semaphore(%arg9 : memref<!tpu.dma_semaphore, #tpu.memory_space<semaphore_mem>>) src(%dma_wait3A_595 : memref<4x200x64xf32, #tpu.memory_space<vmem>>) dst(%dma_wait3A_590 : memref<4x200x64xf32, #tpu.memory_space<hbm>>)
        %dma_wait3A_596 = arith.constant 0 : i32
        %dma_wait3A_597 = arith.constant 0 : i32
        %dma_wait3A_598 = arith.constant 0 : i32
        %dma_wait3A_599 = tpu.memref_slice %arg5[%dma_wait3A_596, %dma_wait3A_597, %dma_wait3A_598] : memref<2x4x200xi32, #tpu.memory_space<vmem>> -> memref<1x4x200xi32, #tpu.memory_space<vmem>>
        %dma_wait3A_600 = tpu.memref_squeeze %dma_wait3A_599 : memref<1x4x200xi32, #tpu.memory_space<vmem>> -> memref<4x200xi32, #tpu.memory_space<vmem>>
        %dma_wait3A_601 = arith.constant 0 : i32
        %dma_wait3A_602 = tpu.memref_slice %arg2[%mul3A_2, %dma_wait3A_601] : memref<16384x200xi32, #tpu.memory_space<hbm>> -> memref<4x200xi32, #tpu.memory_space<hbm>>
        %dma_wait3A_603 = arith.constant 0 : i32
        %dma_wait3A_604 = arith.constant 0 : i32
        %dma_wait3A_605 = tpu.memref_slice %arg5[%dma_wait3A_596, %dma_wait3A_603, %dma_wait3A_604] : memref<2x4x200xi32, #tpu.memory_space<vmem>> -> memref<1x4x200xi32, #tpu.memory_space<vmem>>
        %dma_wait3A_606 = tpu.memref_squeeze %dma_wait3A_605 : memref<1x4x200xi32, #tpu.memory_space<vmem>> -> memref<4x200xi32, #tpu.memory_space<vmem>>
        %dma_wait3A_607 = arith.constant 0 : i32
        %dma_wait3A_608 = tpu.memref_slice %arg2[%mul3A_2, %dma_wait3A_607] : memref<16384x200xi32, #tpu.memory_space<hbm>> -> memref<4x200xi32, #tpu.memory_space<hbm>>
        tpu.wait_dma2 semaphore(%arg11 : memref<!tpu.dma_semaphore, #tpu.memory_space<semaphore_mem>>) src(%dma_wait3A_608 : memref<4x200xi32, #tpu.memory_space<hbm>>) dst(%dma_wait3A_606 : memref<4x200xi32, #tpu.memory_space<vmem>>)
      } else {
      }
      %dma_start3A_178 = arith.constant 0 : i32
      %dma_start3A_179 = arith.constant 0 : i32
      %dma_start3A_180 = arith.constant 0 : i32
      %dma_start3A_181 = arith.constant 0 : i32
      %dma_start3A_182 = arith.constant 0 : i32
      %dma_start3A_183 = arith.constant 0 : i32
      %dma_start3A_184 = tpu.memref_slice %arg6[%dma_start3A_180, %dma_start3A_181, %dma_start3A_182, %dma_start3A_183] : memref<2x4x200x64xf32, #tpu.memory_space<vmem>> -> memref<1x1x128x64xf32, #tpu.memory_space<vmem>>
      %dma_start3A_185 = tpu.memref_squeeze %dma_start3A_184 : memref<1x1x128x64xf32, #tpu.memory_space<vmem>> -> memref<128x64xf32, #tpu.memory_space<vmem>>
      %dma_start3A_186 = arith.constant 0 : i32
      %dma_start3A_187 = tpu.memref_slice %arg5[%dma_start3A_178, %dma_start3A_179, %dma_start3A_186] : memref<2x4x200xi32, #tpu.memory_space<vmem>> -> memref<1x1x128xi32, #tpu.memory_space<vmem>>
      %dma_start3A_188 = tpu.memref_squeeze %dma_start3A_187 : memref<1x1x128xi32, #tpu.memory_space<vmem>> -> memref<128xi32, #tpu.memory_space<vmem>>
      %dma_start3A_189 = arith.constant 0 : i32
      %dma_start3A_190 = arith.constant 0 : i32
      %dma_start3A_191 = tpu.memref_slice %arg3[%dma_start3A_189, %dma_start3A_190] : memref<100000x64xf32, #tpu.memory_space<hbm>> -> memref<100000x64xf32, #tpu.memory_space<hbm>>
      tpu.enqueue_indirect_dma source(%dma_start3A_191 : memref<100000x64xf32, #tpu.memory_space<hbm>>) target(%dma_start3A_185 : memref<128x64xf32, #tpu.memory_space<vmem>>) offsets(%dma_start3A_188 : memref<128xi32, #tpu.memory_space<vmem>>) semaphore(%arg7 : memref<!tpu.dma_semaphore, #tpu.memory_space<semaphore_mem>>)
      %dma_start3A_192 = arith.constant 0 : i32
      %dma_start3A_193 = arith.constant 0 : i32
      %dma_start3A_194 = arith.constant 0 : i32
      %dma_start3A_195 = arith.constant 0 : i32
      %dma_start3A_196 = arith.constant 128 : i32
      %dma_start3A_197 = arith.constant 0 : i32
      %dma_start3A_198 = tpu.memref_slice %arg6[%dma_start3A_194, %dma_start3A_195, %dma_start3A_196, %dma_start3A_197] : memref<2x4x200x64xf32, #tpu.memory_space<vmem>> -> memref<1x1x72x64xf32, #tpu.memory_space<vmem>>
      %dma_start3A_199 = tpu.memref_squeeze %dma_start3A_198 : memref<1x1x72x64xf32, #tpu.memory_space<vmem>> -> memref<72x64xf32, #tpu.memory_space<vmem>>
      %dma_start3A_200 = arith.constant 128 : i32
      %dma_start3A_201 = tpu.memref_slice %arg5[%dma_start3A_192, %dma_start3A_193, %dma_start3A_200] : memref<2x4x200xi32, #tpu.memory_space<vmem>> -> memref<1x1x72xi32, #tpu.memory_space<vmem>>
      %dma_start3A_202 = tpu.memref_squeeze %dma_start3A_201 : memref<1x1x72xi32, #tpu.memory_space<vmem>> -> memref<72xi32, #tpu.memory_space<vmem>>
      %dma_start3A_203 = arith.constant 0 : i32
      %dma_start3A_204 = arith.constant 0 : i32
      %dma_start3A_205 = tpu.memref_slice %arg3[%dma_start3A_203, %dma_start3A_204] : memref<100000x64xf32, #tpu.memory_space<hbm>> -> memref<100000x64xf32, #tpu.memory_space<hbm>>
      tpu.enqueue_indirect_dma source(%dma_start3A_205 : memref<100000x64xf32, #tpu.memory_space<hbm>>) target(%dma_start3A_199 : memref<72x64xf32, #tpu.memory_space<vmem>>) offsets(%dma_start3A_202 : memref<72xi32, #tpu.memory_space<vmem>>) semaphore(%arg7 : memref<!tpu.dma_semaphore, #tpu.memory_space<semaphore_mem>>)
      %dma_start3A_206 = arith.constant 0 : i32
      %dma_start3A_207 = arith.constant 1 : i32
      %dma_start3A_208 = arith.constant 0 : i32
      %dma_start3A_209 = arith.constant 1 : i32
      %dma_start3A_210 = arith.constant 0 : i32
      %dma_start3A_211 = arith.constant 0 : i32
      %dma_start3A_212 = tpu.memref_slice %arg6[%dma_start3A_208, %dma_start3A_209, %dma_start3A_210, %dma_start3A_211] : memref<2x4x200x64xf32, #tpu.memory_space<vmem>> -> memref<1x1x128x64xf32, #tpu.memory_space<vmem>>
      %dma_start3A_213 = tpu.memref_squeeze %dma_start3A_212 : memref<1x1x128x64xf32, #tpu.memory_space<vmem>> -> memref<128x64xf32, #tpu.memory_space<vmem>>
      %dma_start3A_214 = arith.constant 0 : i32
      %dma_start3A_215 = tpu.memref_slice %arg5[%dma_start3A_206, %dma_start3A_207, %dma_start3A_214] : memref<2x4x200xi32, #tpu.memory_space<vmem>> -> memref<1x1x128xi32, #tpu.memory_space<vmem>>
      %dma_start3A_216 = tpu.memref_squeeze %dma_start3A_215 : memref<1x1x128xi32, #tpu.memory_space<vmem>> -> memref<128xi32, #tpu.memory_space<vmem>>
      %dma_start3A_217 = arith.constant 0 : i32
      %dma_start3A_218 = arith.constant 0 : i32
      %dma_start3A_219 = tpu.memref_slice %arg3[%dma_start3A_217, %dma_start3A_218] : memref<100000x64xf32, #tpu.memory_space<hbm>> -> memref<100000x64xf32, #tpu.memory_space<hbm>>
      tpu.enqueue_indirect_dma source(%dma_start3A_219 : memref<100000x64xf32, #tpu.memory_space<hbm>>) target(%dma_start3A_213 : memref<128x64xf32, #tpu.memory_space<vmem>>) offsets(%dma_start3A_216 : memref<128xi32, #tpu.memory_space<vmem>>) semaphore(%arg7 : memref<!tpu.dma_semaphore, #tpu.memory_space<semaphore_mem>>)
      %dma_start3A_220 = arith.constant 0 : i32
      %dma_start3A_221 = arith.constant 1 : i32
      %dma_start3A_222 = arith.constant 0 : i32
      %dma_start3A_223 = arith.constant 1 : i32
      %dma_start3A_224 = arith.constant 128 : i32
      %dma_start3A_225 = arith.constant 0 : i32
      %dma_start3A_226 = tpu.memref_slice %arg6[%dma_start3A_222, %dma_start3A_223, %dma_start3A_224, %dma_start3A_225] : memref<2x4x200x64xf32, #tpu.memory_space<vmem>> -> memref<1x1x72x64xf32, #tpu.memory_space<vmem>>
      %dma_start3A_227 = tpu.memref_squeeze %dma_start3A_226 : memref<1x1x72x64xf32, #tpu.memory_space<vmem>> -> memref<72x64xf32, #tpu.memory_space<vmem>>
      %dma_start3A_228 = arith.constant 128 : i32
      %dma_start3A_229 = tpu.memref_slice %arg5[%dma_start3A_220, %dma_start3A_221, %dma_start3A_228] : memref<2x4x200xi32, #tpu.memory_space<vmem>> -> memref<1x1x72xi32, #tpu.memory_space<vmem>>
      %dma_start3A_230 = tpu.memref_squeeze %dma_start3A_229 : memref<1x1x72xi32, #tpu.memory_space<vmem>> -> memref<72xi32, #tpu.memory_space<vmem>>
      %dma_start3A_231 = arith.constant 0 : i32
      %dma_start3A_232 = arith.constant 0 : i32
      %dma_start3A_233 = tpu.memref_slice %arg3[%dma_start3A_231, %dma_start3A_232] : memref<100000x64xf32, #tpu.memory_space<hbm>> -> memref<100000x64xf32, #tpu.memory_space<hbm>>
      tpu.enqueue_indirect_dma source(%dma_start3A_233 : memref<100000x64xf32, #tpu.memory_space<hbm>>) target(%dma_start3A_227 : memref<72x64xf32, #tpu.memory_space<vmem>>) offsets(%dma_start3A_230 : memref<72xi32, #tpu.memory_space<vmem>>) semaphore(%arg7 : memref<!tpu.dma_semaphore, #tpu.memory_space<semaphore_mem>>)
      %dma_start3A_234 = arith.constant 0 : i32
      %dma_start3A_235 = arith.constant 2 : i32
      %dma_start3A_236 = arith.constant 0 : i32
      %dma_start3A_237 = arith.constant 2 : i32
      %dma_start3A_238 = arith.constant 0 : i32
      %dma_start3A_239 = arith.constant 0 : i32
      %dma_start3A_240 = tpu.memref_slice %arg6[%dma_start3A_236, %dma_start3A_237, %dma_start3A_238, %dma_start3A_239] : memref<2x4x200x64xf32, #tpu.memory_space<vmem>> -> memref<1x1x128x64xf32, #tpu.memory_space<vmem>>
      %dma_start3A_241 = tpu.memref_squeeze %dma_start3A_240 : memref<1x1x128x64xf32, #tpu.memory_space<vmem>> -> memref<128x64xf32, #tpu.memory_space<vmem>>
      %dma_start3A_242 = arith.constant 0 : i32
      %dma_start3A_243 = tpu.memref_slice %arg5[%dma_start3A_234, %dma_start3A_235, %dma_start3A_242] : memref<2x4x200xi32, #tpu.memory_space<vmem>> -> memref<1x1x128xi32, #tpu.memory_space<vmem>>
      %dma_start3A_244 = tpu.memref_squeeze %dma_start3A_243 : memref<1x1x128xi32, #tpu.memory_space<vmem>> -> memref<128xi32, #tpu.memory_space<vmem>>
      %dma_start3A_245 = arith.constant 0 : i32
      %dma_start3A_246 = arith.constant 0 : i32
      %dma_start3A_247 = tpu.memref_slice %arg3[%dma_start3A_245, %dma_start3A_246] : memref<100000x64xf32, #tpu.memory_space<hbm>> -> memref<100000x64xf32, #tpu.memory_space<hbm>>
      tpu.enqueue_indirect_dma source(%dma_start3A_247 : memref<100000x64xf32, #tpu.memory_space<hbm>>) target(%dma_start3A_241 : memref<128x64xf32, #tpu.memory_space<vmem>>) offsets(%dma_start3A_244 : memref<128xi32, #tpu.memory_space<vmem>>) semaphore(%arg7 : memref<!tpu.dma_semaphore, #tpu.memory_space<semaphore_mem>>)
      %dma_start3A_248 = arith.constant 0 : i32
      %dma_start3A_249 = arith.constant 2 : i32
      %dma_start3A_250 = arith.constant 0 : i32
      %dma_start3A_251 = arith.constant 2 : i32
      %dma_start3A_252 = arith.constant 128 : i32
      %dma_start3A_253 = arith.constant 0 : i32
      %dma_start3A_254 = tpu.memref_slice %arg6[%dma_start3A_250, %dma_start3A_251, %dma_start3A_252, %dma_start3A_253] : memref<2x4x200x64xf32, #tpu.memory_space<vmem>> -> memref<1x1x72x64xf32, #tpu.memory_space<vmem>>
      %dma_start3A_255 = tpu.memref_squeeze %dma_start3A_254 : memref<1x1x72x64xf32, #tpu.memory_space<vmem>> -> memref<72x64xf32, #tpu.memory_space<vmem>>
      %dma_start3A_256 = arith.constant 128 : i32
      %dma_start3A_257 = tpu.memref_slice %arg5[%dma_start3A_248, %dma_start3A_249, %dma_start3A_256] : memref<2x4x200xi32, #tpu.memory_space<vmem>> -> memref<1x1x72xi32, #tpu.memory_space<vmem>>
      %dma_start3A_258 = tpu.memref_squeeze %dma_start3A_257 : memref<1x1x72xi32, #tpu.memory_space<vmem>> -> memref<72xi32, #tpu.memory_space<vmem>>
      %dma_start3A_259 = arith.constant 0 : i32
      %dma_start3A_260 = arith.constant 0 : i32
      %dma_start3A_261 = tpu.memref_slice %arg3[%dma_start3A_259, %dma_start3A_260] : memref<100000x64xf32, #tpu.memory_space<hbm>> -> memref<100000x64xf32, #tpu.memory_space<hbm>>
      tpu.enqueue_indirect_dma source(%dma_start3A_261 : memref<100000x64xf32, #tpu.memory_space<hbm>>) target(%dma_start3A_255 : memref<72x64xf32, #tpu.memory_space<vmem>>) offsets(%dma_start3A_258 : memref<72xi32, #tpu.memory_space<vmem>>) semaphore(%arg7 : memref<!tpu.dma_semaphore, #tpu.memory_space<semaphore_mem>>)
      %dma_start3A_262 = arith.constant 0 : i32
      %dma_start3A_263 = arith.constant 3 : i32
      %dma_start3A_264 = arith.constant 0 : i32
      %dma_start3A_265 = arith.constant 3 : i32
      %dma_start3A_266 = arith.constant 0 : i32
      %dma_start3A_267 = arith.constant 0 : i32
      %dma_start3A_268 = tpu.memref_slice %arg6[%dma_start3A_264, %dma_start3A_265, %dma_start3A_266, %dma_start3A_267] : memref<2x4x200x64xf32, #tpu.memory_space<vmem>> -> memref<1x1x128x64xf32, #tpu.memory_space<vmem>>
      %dma_start3A_269 = tpu.memref_squeeze %dma_start3A_268 : memref<1x1x128x64xf32, #tpu.memory_space<vmem>> -> memref<128x64xf32, #tpu.memory_space<vmem>>
      %dma_start3A_270 = arith.constant 0 : i32
      %dma_start3A_271 = tpu.memref_slice %arg5[%dma_start3A_262, %dma_start3A_263, %dma_start3A_270] : memref<2x4x200xi32, #tpu.memory_space<vmem>> -> memref<1x1x128xi32, #tpu.memory_space<vmem>>
      %dma_start3A_272 = tpu.memref_squeeze %dma_start3A_271 : memref<1x1x128xi32, #tpu.memory_space<vmem>> -> memref<128xi32, #tpu.memory_space<vmem>>
      %dma_start3A_273 = arith.constant 0 : i32
      %dma_start3A_274 = arith.constant 0 : i32
      %dma_start3A_275 = tpu.memref_slice %arg3[%dma_start3A_273, %dma_start3A_274] : memref<100000x64xf32, #tpu.memory_space<hbm>> -> memref<100000x64xf32, #tpu.memory_space<hbm>>
      tpu.enqueue_indirect_dma source(%dma_start3A_275 : memref<100000x64xf32, #tpu.memory_space<hbm>>) target(%dma_start3A_269 : memref<128x64xf32, #tpu.memory_space<vmem>>) offsets(%dma_start3A_272 : memref<128xi32, #tpu.memory_space<vmem>>) semaphore(%arg7 : memref<!tpu.dma_semaphore, #tpu.memory_space<semaphore_mem>>)
      %dma_start3A_276 = arith.constant 0 : i32
      %dma_start3A_277 = arith.constant 3 : i32
      %dma_start3A_278 = arith.constant 0 : i32
      %dma_start3A_279 = arith.constant 3 : i32
      %dma_start3A_280 = arith.constant 128 : i32
      %dma_start3A_281 = arith.constant 0 : i32
      %dma_start3A_282 = tpu.memref_slice %arg6[%dma_start3A_278, %dma_start3A_279, %dma_start3A_280, %dma_start3A_281] : memref<2x4x200x64xf32, #tpu.memory_space<vmem>> -> memref<1x1x72x64xf32, #tpu.memory_space<vmem>>
      %dma_start3A_283 = tpu.memref_squeeze %dma_start3A_282 : memref<1x1x72x64xf32, #tpu.memory_space<vmem>> -> memref<72x64xf32, #tpu.memory_space<vmem>>
      %dma_start3A_284 = arith.constant 128 : i32
      %dma_start3A_285 = tpu.memref_slice %arg5[%dma_start3A_276, %dma_start3A_277, %dma_start3A_284] : memref<2x4x200xi32, #tpu.memory_space<vmem>> -> memref<1x1x72xi32, #tpu.memory_space<vmem>>
      %dma_start3A_286 = tpu.memref_squeeze %dma_start3A_285 : memref<1x1x72xi32, #tpu.memory_space<vmem>> -> memref<72xi32, #tpu.memory_space<vmem>>
      %dma_start3A_287 = arith.constant 0 : i32
      %dma_start3A_288 = arith.constant 0 : i32
      %dma_start3A_289 = tpu.memref_slice %arg3[%dma_start3A_287, %dma_start3A_288] : memref<100000x64xf32, #tpu.memory_space<hbm>> -> memref<100000x64xf32, #tpu.memory_space<hbm>>
      tpu.enqueue_indirect_dma source(%dma_start3A_289 : memref<100000x64xf32, #tpu.memory_space<hbm>>) target(%dma_start3A_283 : memref<72x64xf32, #tpu.memory_space<vmem>>) offsets(%dma_start3A_286 : memref<72xi32, #tpu.memory_space<vmem>>) semaphore(%arg7 : memref<!tpu.dma_semaphore, #tpu.memory_space<semaphore_mem>>)
      %gt3A_290 = arith.constant 0 : i32
      %gt3A_291 = arith.cmpi sgt, %scan3A_173, %gt3A_290 : i32
      %convert_element_type3A_292 = arith.extui %gt3A_291 : i1 to i32
      %cond3A_293 = arith.constant 0 : i32
      %cond3A_294 = arith.cmpi ne, %convert_element_type3A_292, %cond3A_293 : i32
      scf.if %cond3A_294 {
        %dma_wait3A_579 = arith.constant 1 : i32
        %dma_wait3A_580 = arith.constant 0 : i32
        %dma_wait3A_581 = arith.constant 1 : i32
        %dma_wait3A_582 = arith.constant 0 : i32
        %dma_wait3A_583 = arith.constant 0 : i32
        %dma_wait3A_584 = arith.constant 0 : i32
        %dma_wait3A_585 = tpu.memref_slice %arg6[%dma_wait3A_581, %dma_wait3A_582, %dma_wait3A_583, %dma_wait3A_584] : memref<2x4x200x64xf32, #tpu.memory_space<vmem>> -> memref<1x1x128x64xf32, #tpu.memory_space<vmem>>
        %dma_wait3A_586 = tpu.memref_squeeze %dma_wait3A_585 : memref<1x1x128x64xf32, #tpu.memory_space<vmem>> -> memref<128x64xf32, #tpu.memory_space<vmem>>
        %dma_wait3A_587 = arith.constant 0 : i32
        %dma_wait3A_588 = tpu.memref_slice %arg5[%dma_wait3A_579, %dma_wait3A_580, %dma_wait3A_587] : memref<2x4x200xi32, #tpu.memory_space<vmem>> -> memref<1x1x128xi32, #tpu.memory_space<vmem>>
        %dma_wait3A_589 = tpu.memref_squeeze %dma_wait3A_588 : memref<1x1x128xi32, #tpu.memory_space<vmem>> -> memref<128xi32, #tpu.memory_space<vmem>>
        %dma_wait3A_590 = arith.constant 0 : i32
        %dma_wait3A_591 = arith.constant 0 : i32
        %dma_wait3A_592 = tpu.memref_slice %arg3[%dma_wait3A_590, %dma_wait3A_591] : memref<100000x64xf32, #tpu.memory_space<hbm>> -> memref<100000x64xf32, #tpu.memory_space<hbm>>
        tpu.wait_indirect_dma semaphore(%arg8 : memref<!tpu.dma_semaphore, #tpu.memory_space<semaphore_mem>>) src(%dma_wait3A_592 : memref<100000x64xf32, #tpu.memory_space<hbm>>) dst(%dma_wait3A_586 : memref<128x64xf32, #tpu.memory_space<vmem>>)
        %dma_wait3A_593 = arith.constant 1 : i32
        %dma_wait3A_594 = arith.constant 0 : i32
        %dma_wait3A_595 = arith.constant 1 : i32
        %dma_wait3A_596 = arith.constant 0 : i32
        %dma_wait3A_597 = arith.constant 128 : i32
        %dma_wait3A_598 = arith.constant 0 : i32
        %dma_wait3A_599 = tpu.memref_slice %arg6[%dma_wait3A_595, %dma_wait3A_596, %dma_wait3A_597, %dma_wait3A_598] : memref<2x4x200x64xf32, #tpu.memory_space<vmem>> -> memref<1x1x72x64xf32, #tpu.memory_space<vmem>>
        %dma_wait3A_600 = tpu.memref_squeeze %dma_wait3A_599 : memref<1x1x72x64xf32, #tpu.memory_space<vmem>> -> memref<72x64xf32, #tpu.memory_space<vmem>>
        %dma_wait3A_601 = arith.constant 128 : i32
        %dma_wait3A_602 = tpu.memref_slice %arg5[%dma_wait3A_593, %dma_wait3A_594, %dma_wait3A_601] : memref<2x4x200xi32, #tpu.memory_space<vmem>> -> memref<1x1x72xi32, #tpu.memory_space<vmem>>
        %dma_wait3A_603 = tpu.memref_squeeze %dma_wait3A_602 : memref<1x1x72xi32, #tpu.memory_space<vmem>> -> memref<72xi32, #tpu.memory_space<vmem>>
        %dma_wait3A_604 = arith.constant 0 : i32
        %dma_wait3A_605 = arith.constant 0 : i32
        %dma_wait3A_606 = tpu.memref_slice %arg3[%dma_wait3A_604, %dma_wait3A_605] : memref<100000x64xf32, #tpu.memory_space<hbm>> -> memref<100000x64xf32, #tpu.memory_space<hbm>>
        tpu.wait_indirect_dma semaphore(%arg8 : memref<!tpu.dma_semaphore, #tpu.memory_space<semaphore_mem>>) src(%dma_wait3A_606 : memref<100000x64xf32, #tpu.memory_space<hbm>>) dst(%dma_wait3A_600 : memref<72x64xf32, #tpu.memory_space<vmem>>)
        %dma_wait3A_607 = arith.constant 1 : i32
        %dma_wait3A_608 = arith.constant 1 : i32
        %dma_wait3A_609 = arith.constant 1 : i32
        %dma_wait3A_610 = arith.constant 1 : i32
        %dma_wait3A_611 = arith.constant 0 : i32
        %dma_wait3A_612 = arith.constant 0 : i32
        %dma_wait3A_613 = tpu.memref_slice %arg6[%dma_wait3A_609, %dma_wait3A_610, %dma_wait3A_611, %dma_wait3A_612] : memref<2x4x200x64xf32, #tpu.memory_space<vmem>> -> memref<1x1x128x64xf32, #tpu.memory_space<vmem>>
        %dma_wait3A_614 = tpu.memref_squeeze %dma_wait3A_613 : memref<1x1x128x64xf32, #tpu.memory_space<vmem>> -> memref<128x64xf32, #tpu.memory_space<vmem>>
        %dma_wait3A_615 = arith.constant 0 : i32
        %dma_wait3A_616 = tpu.memref_slice %arg5[%dma_wait3A_607, %dma_wait3A_608, %dma_wait3A_615] : memref<2x4x200xi32, #tpu.memory_space<vmem>> -> memref<1x1x128xi32, #tpu.memory_space<vmem>>
        %dma_wait3A_617 = tpu.memref_squeeze %dma_wait3A_616 : memref<1x1x128xi32, #tpu.memory_space<vmem>> -> memref<128xi32, #tpu.memory_space<vmem>>
        %dma_wait3A_618 = arith.constant 0 : i32
        %dma_wait3A_619 = arith.constant 0 : i32
        %dma_wait3A_620 = tpu.memref_slice %arg3[%dma_wait3A_618, %dma_wait3A_619] : memref<100000x64xf32, #tpu.memory_space<hbm>> -> memref<100000x64xf32, #tpu.memory_space<hbm>>
        tpu.wait_indirect_dma semaphore(%arg8 : memref<!tpu.dma_semaphore, #tpu.memory_space<semaphore_mem>>) src(%dma_wait3A_620 : memref<100000x64xf32, #tpu.memory_space<hbm>>) dst(%dma_wait3A_614 : memref<128x64xf32, #tpu.memory_space<vmem>>)
        %dma_wait3A_621 = arith.constant 1 : i32
        %dma_wait3A_622 = arith.constant 1 : i32
        %dma_wait3A_623 = arith.constant 1 : i32
        %dma_wait3A_624 = arith.constant 1 : i32
        %dma_wait3A_625 = arith.constant 128 : i32
        %dma_wait3A_626 = arith.constant 0 : i32
        %dma_wait3A_627 = tpu.memref_slice %arg6[%dma_wait3A_623, %dma_wait3A_624, %dma_wait3A_625, %dma_wait3A_626] : memref<2x4x200x64xf32, #tpu.memory_space<vmem>> -> memref<1x1x72x64xf32, #tpu.memory_space<vmem>>
        %dma_wait3A_628 = tpu.memref_squeeze %dma_wait3A_627 : memref<1x1x72x64xf32, #tpu.memory_space<vmem>> -> memref<72x64xf32, #tpu.memory_space<vmem>>
        %dma_wait3A_629 = arith.constant 128 : i32
        %dma_wait3A_630 = tpu.memref_slice %arg5[%dma_wait3A_621, %dma_wait3A_622, %dma_wait3A_629] : memref<2x4x200xi32, #tpu.memory_space<vmem>> -> memref<1x1x72xi32, #tpu.memory_space<vmem>>
        %dma_wait3A_631 = tpu.memref_squeeze %dma_wait3A_630 : memref<1x1x72xi32, #tpu.memory_space<vmem>> -> memref<72xi32, #tpu.memory_space<vmem>>
        %dma_wait3A_632 = arith.constant 0 : i32
        %dma_wait3A_633 = arith.constant 0 : i32
        %dma_wait3A_634 = tpu.memref_slice %arg3[%dma_wait3A_632, %dma_wait3A_633] : memref<100000x64xf32, #tpu.memory_space<hbm>> -> memref<100000x64xf32, #tpu.memory_space<hbm>>
        tpu.wait_indirect_dma semaphore(%arg8 : memref<!tpu.dma_semaphore, #tpu.memory_space<semaphore_mem>>) src(%dma_wait3A_634 : memref<100000x64xf32, #tpu.memory_space<hbm>>) dst(%dma_wait3A_628 : memref<72x64xf32, #tpu.memory_space<vmem>>)
        %dma_wait3A_635 = arith.constant 1 : i32
        %dma_wait3A_636 = arith.constant 2 : i32
        %dma_wait3A_637 = arith.constant 1 : i32
        %dma_wait3A_638 = arith.constant 2 : i32
        %dma_wait3A_639 = arith.constant 0 : i32
        %dma_wait3A_640 = arith.constant 0 : i32
        %dma_wait3A_641 = tpu.memref_slice %arg6[%dma_wait3A_637, %dma_wait3A_638, %dma_wait3A_639, %dma_wait3A_640] : memref<2x4x200x64xf32, #tpu.memory_space<vmem>> -> memref<1x1x128x64xf32, #tpu.memory_space<vmem>>
        %dma_wait3A_642 = tpu.memref_squeeze %dma_wait3A_641 : memref<1x1x128x64xf32, #tpu.memory_space<vmem>> -> memref<128x64xf32, #tpu.memory_space<vmem>>
        %dma_wait3A_643 = arith.constant 0 : i32
        %dma_wait3A_644 = tpu.memref_slice %arg5[%dma_wait3A_635, %dma_wait3A_636, %dma_wait3A_643] : memref<2x4x200xi32, #tpu.memory_space<vmem>> -> memref<1x1x128xi32, #tpu.memory_space<vmem>>
        %dma_wait3A_645 = tpu.memref_squeeze %dma_wait3A_644 : memref<1x1x128xi32, #tpu.memory_space<vmem>> -> memref<128xi32, #tpu.memory_space<vmem>>
        %dma_wait3A_646 = arith.constant 0 : i32
        %dma_wait3A_647 = arith.constant 0 : i32
        %dma_wait3A_648 = tpu.memref_slice %arg3[%dma_wait3A_646, %dma_wait3A_647] : memref<100000x64xf32, #tpu.memory_space<hbm>> -> memref<100000x64xf32, #tpu.memory_space<hbm>>
        tpu.wait_indirect_dma semaphore(%arg8 : memref<!tpu.dma_semaphore, #tpu.memory_space<semaphore_mem>>) src(%dma_wait3A_648 : memref<100000x64xf32, #tpu.memory_space<hbm>>) dst(%dma_wait3A_642 : memref<128x64xf32, #tpu.memory_space<vmem>>)
        %dma_wait3A_649 = arith.constant 1 : i32
        %dma_wait3A_650 = arith.constant 2 : i32
        %dma_wait3A_651 = arith.constant 1 : i32
        %dma_wait3A_652 = arith.constant 2 : i32
        %dma_wait3A_653 = arith.constant 128 : i32
        %dma_wait3A_654 = arith.constant 0 : i32
        %dma_wait3A_655 = tpu.memref_slice %arg6[%dma_wait3A_651, %dma_wait3A_652, %dma_wait3A_653, %dma_wait3A_654] : memref<2x4x200x64xf32, #tpu.memory_space<vmem>> -> memref<1x1x72x64xf32, #tpu.memory_space<vmem>>
        %dma_wait3A_656 = tpu.memref_squeeze %dma_wait3A_655 : memref<1x1x72x64xf32, #tpu.memory_space<vmem>> -> memref<72x64xf32, #tpu.memory_space<vmem>>
        %dma_wait3A_657 = arith.constant 128 : i32
        %dma_wait3A_658 = tpu.memref_slice %arg5[%dma_wait3A_649, %dma_wait3A_650, %dma_wait3A_657] : memref<2x4x200xi32, #tpu.memory_space<vmem>> -> memref<1x1x72xi32, #tpu.memory_space<vmem>>
        %dma_wait3A_659 = tpu.memref_squeeze %dma_wait3A_658 : memref<1x1x72xi32, #tpu.memory_space<vmem>> -> memref<72xi32, #tpu.memory_space<vmem>>
        %dma_wait3A_660 = arith.constant 0 : i32
        %dma_wait3A_661 = arith.constant 0 : i32
        %dma_wait3A_662 = tpu.memref_slice %arg3[%dma_wait3A_660, %dma_wait3A_661] : memref<100000x64xf32, #tpu.memory_space<hbm>> -> memref<100000x64xf32, #tpu.memory_space<hbm>>
        tpu.wait_indirect_dma semaphore(%arg8 : memref<!tpu.dma_semaphore, #tpu.memory_space<semaphore_mem>>) src(%dma_wait3A_662 : memref<100000x64xf32, #tpu.memory_space<hbm>>) dst(%dma_wait3A_656 : memref<72x64xf32, #tpu.memory_space<vmem>>)
        %dma_wait3A_663 = arith.constant 1 : i32
        %dma_wait3A_664 = arith.constant 3 : i32
        %dma_wait3A_665 = arith.constant 1 : i32
        %dma_wait3A_666 = arith.constant 3 : i32
        %dma_wait3A_667 = arith.constant 0 : i32
        %dma_wait3A_668 = arith.constant 0 : i32
        %dma_wait3A_669 = tpu.memref_slice %arg6[%dma_wait3A_665, %dma_wait3A_666, %dma_wait3A_667, %dma_wait3A_668] : memref<2x4x200x64xf32, #tpu.memory_space<vmem>> -> memref<1x1x128x64xf32, #tpu.memory_space<vmem>>
        %dma_wait3A_670 = tpu.memref_squeeze %dma_wait3A_669 : memref<1x1x128x64xf32, #tpu.memory_space<vmem>> -> memref<128x64xf32, #tpu.memory_space<vmem>>
        %dma_wait3A_671 = arith.constant 0 : i32
        %dma_wait3A_672 = tpu.memref_slice %arg5[%dma_wait3A_663, %dma_wait3A_664, %dma_wait3A_671] : memref<2x4x200xi32, #tpu.memory_space<vmem>> -> memref<1x1x128xi32, #tpu.memory_space<vmem>>
        %dma_wait3A_673 = tpu.memref_squeeze %dma_wait3A_672 : memref<1x1x128xi32, #tpu.memory_space<vmem>> -> memref<128xi32, #tpu.memory_space<vmem>>
        %dma_wait3A_674 = arith.constant 0 : i32
        %dma_wait3A_675 = arith.constant 0 : i32
        %dma_wait3A_676 = tpu.memref_slice %arg3[%dma_wait3A_674, %dma_wait3A_675] : memref<100000x64xf32, #tpu.memory_space<hbm>> -> memref<100000x64xf32, #tpu.memory_space<hbm>>
        tpu.wait_indirect_dma semaphore(%arg8 : memref<!tpu.dma_semaphore, #tpu.memory_space<semaphore_mem>>) src(%dma_wait3A_676 : memref<100000x64xf32, #tpu.memory_space<hbm>>) dst(%dma_wait3A_670 : memref<128x64xf32, #tpu.memory_space<vmem>>)
        %dma_wait3A_677 = arith.constant 1 : i32
        %dma_wait3A_678 = arith.constant 3 : i32
        %dma_wait3A_679 = arith.constant 1 : i32
        %dma_wait3A_680 = arith.constant 3 : i32
        %dma_wait3A_681 = arith.constant 128 : i32
        %dma_wait3A_682 = arith.constant 0 : i32
        %dma_wait3A_683 = tpu.memref_slice %arg6[%dma_wait3A_679, %dma_wait3A_680, %dma_wait3A_681, %dma_wait3A_682] : memref<2x4x200x64xf32, #tpu.memory_space<vmem>> -> memref<1x1x72x64xf32, #tpu.memory_space<vmem>>
        %dma_wait3A_684 = tpu.memref_squeeze %dma_wait3A_683 : memref<1x1x72x64xf32, #tpu.memory_space<vmem>> -> memref<72x64xf32, #tpu.memory_space<vmem>>
        %dma_wait3A_685 = arith.constant 128 : i32
        %dma_wait3A_686 = tpu.memref_slice %arg5[%dma_wait3A_677, %dma_wait3A_678, %dma_wait3A_685] : memref<2x4x200xi32, #tpu.memory_space<vmem>> -> memref<1x1x72xi32, #tpu.memory_space<vmem>>
        %dma_wait3A_687 = tpu.memref_squeeze %dma_wait3A_686 : memref<1x1x72xi32, #tpu.memory_space<vmem>> -> memref<72xi32, #tpu.memory_space<vmem>>
        %dma_wait3A_688 = arith.constant 0 : i32
        %dma_wait3A_689 = arith.constant 0 : i32
        %dma_wait3A_690 = tpu.memref_slice %arg3[%dma_wait3A_688, %dma_wait3A_689] : memref<100000x64xf32, #tpu.memory_space<hbm>> -> memref<100000x64xf32, #tpu.memory_space<hbm>>
        tpu.wait_indirect_dma semaphore(%arg8 : memref<!tpu.dma_semaphore, #tpu.memory_space<semaphore_mem>>) src(%dma_wait3A_690 : memref<100000x64xf32, #tpu.memory_space<hbm>>) dst(%dma_wait3A_684 : memref<72x64xf32, #tpu.memory_space<vmem>>)
        %sub3A = arith.constant 1 : i32
        %sub3A_691 = arith.subi %mul3A_175, %sub3A : i32
        %mul3A_692 = arith.constant 4 : i32
        %mul3A_693 = arith.muli %sub3A_691, %mul3A_692 : i32
        %add3A_694 = arith.addi %mul3A_2, %mul3A_693 : i32
        %dma_start3A_695 = arith.constant 1 : i32
        %dma_start3A_696 = arith.constant 0 : i32
        %dma_start3A_697 = arith.constant 0 : i32
        %dma_start3A_698 = arith.constant 0 : i32
        %dma_start3A_699 = tpu.memref_slice %arg6[%dma_start3A_695, %dma_start3A_696, %dma_start3A_697, %dma_start3A_698] : memref<2x4x200x64xf32, #tpu.memory_space<vmem>> -> memref<1x4x200x64xf32, #tpu.memory_space<vmem>>
        %dma_start3A_700 = tpu.memref_squeeze %dma_start3A_699 : memref<1x4x200x64xf32, #tpu.memory_space<vmem>> -> memref<4x200x64xf32, #tpu.memory_space<vmem>>
        %dma_start3A_701 = arith.constant 0 : i32
        %dma_start3A_702 = arith.constant 0 : i32
        %dma_start3A_703 = tpu.memref_slice %arg4[%add3A_694, %dma_start3A_701, %dma_start3A_702] : memref<16384x200x128xf32, #tpu.memory_space<hbm>> -> memref<4x200x64xf32, #tpu.memory_space<hbm>>
        %dma_start3A_704 = arith.constant 0 : i32
        %dma_start3A_705 = arith.constant 0 : i32
        %dma_start3A_706 = tpu.memref_slice %arg4[%add3A_694, %dma_start3A_704, %dma_start3A_705] : memref<16384x200x128xf32, #tpu.memory_space<hbm>> -> memref<4x200x64xf32, #tpu.memory_space<hbm>>
        %dma_start3A_707 = arith.constant 0 : i32
        %dma_start3A_708 = arith.constant 0 : i32
        %dma_start3A_709 = arith.constant 0 : i32
        %dma_start3A_710 = tpu.memref_slice %arg6[%dma_start3A_695, %dma_start3A_707, %dma_start3A_708, %dma_start3A_709] : memref<2x4x200x64xf32, #tpu.memory_space<vmem>> -> memref<1x4x200x64xf32, #tpu.memory_space<vmem>>
        %dma_start3A_711 = tpu.memref_squeeze %dma_start3A_710 : memref<1x4x200x64xf32, #tpu.memory_space<vmem>> -> memref<4x200x64xf32, #tpu.memory_space<vmem>>
        tpu.enqueue_dma source(%dma_start3A_711 : memref<4x200x64xf32, #tpu.memory_space<vmem>>) target(%dma_start3A_706 : memref<4x200x64xf32, #tpu.memory_space<hbm>>) target_semaphore(%arg10 : memref<!tpu.dma_semaphore, #tpu.memory_space<semaphore_mem>>)
      } else {
      }
      %add3A_295 = arith.constant 1 : i32
      %add3A_296 = arith.addi %mul3A_175, %add3A_295 : i32
      %mul3A_297 = arith.constant 4 : i32
      %mul3A_298 = arith.muli %add3A_296, %mul3A_297 : i32
      %add3A_299 = arith.addi %mul3A_2, %mul3A_298 : i32
      %dma_start3A_300 = arith.constant 1 : i32
      %dma_start3A_301 = arith.constant 0 : i32
      %dma_start3A_302 = arith.constant 0 : i32
      %dma_start3A_303 = tpu.memref_slice %arg5[%dma_start3A_300, %dma_start3A_301, %dma_start3A_302] : memref<2x4x200xi32, #tpu.memory_space<vmem>> -> memref<1x4x200xi32, #tpu.memory_space<vmem>>
      %dma_start3A_304 = tpu.memref_squeeze %dma_start3A_303 : memref<1x4x200xi32, #tpu.memory_space<vmem>> -> memref<4x200xi32, #tpu.memory_space<vmem>>
      %dma_start3A_305 = arith.constant 0 : i32
      %dma_start3A_306 = tpu.memref_slice %arg2[%add3A_299, %dma_start3A_305] : memref<16384x200xi32, #tpu.memory_space<hbm>> -> memref<4x200xi32, #tpu.memory_space<hbm>>
      %dma_start3A_307 = arith.constant 0 : i32
      %dma_start3A_308 = arith.constant 0 : i32
      %dma_start3A_309 = tpu.memref_slice %arg5[%dma_start3A_300, %dma_start3A_307, %dma_start3A_308] : memref<2x4x200xi32, #tpu.memory_space<vmem>> -> memref<1x4x200xi32, #tpu.memory_space<vmem>>
      %dma_start3A_310 = tpu.memref_squeeze %dma_start3A_309 : memref<1x4x200xi32, #tpu.memory_space<vmem>> -> memref<4x200xi32, #tpu.memory_space<vmem>>
      %dma_start3A_311 = arith.constant 0 : i32
      %dma_start3A_312 = tpu.memref_slice %arg2[%add3A_299, %dma_start3A_311] : memref<16384x200xi32, #tpu.memory_space<hbm>> -> memref<4x200xi32, #tpu.memory_space<hbm>>
      tpu.enqueue_dma source(%dma_start3A_312 : memref<4x200xi32, #tpu.memory_space<hbm>>) target(%dma_start3A_310 : memref<4x200xi32, #tpu.memory_space<vmem>>) target_semaphore(%arg11 : memref<!tpu.dma_semaphore, #tpu.memory_space<semaphore_mem>>)
      %gt3A_313 = arith.constant 0 : i32
      %gt3A_314 = arith.cmpi sgt, %scan3A_173, %gt3A_313 : i32
      %convert_element_type3A_315 = arith.extui %gt3A_314 : i1 to i32
      %cond3A_316 = arith.constant 0 : i32
      %cond3A_317 = arith.cmpi ne, %convert_element_type3A_315, %cond3A_316 : i32
      scf.if %cond3A_317 {
        %dma_wait3A_579 = arith.constant 1 : i32
        %dma_wait3A_580 = arith.constant 0 : i32
        %dma_wait3A_581 = arith.constant 0 : i32
        %dma_wait3A_582 = arith.constant 0 : i32
        %dma_wait3A_583 = tpu.memref_slice %arg6[%dma_wait3A_579, %dma_wait3A_580, %dma_wait3A_581, %dma_wait3A_582] : memref<2x4x200x64xf32, #tpu.memory_space<vmem>> -> memref<1x4x200x64xf32, #tpu.memory_space<vmem>>
        %dma_wait3A_584 = tpu.memref_squeeze %dma_wait3A_583 : memref<1x4x200x64xf32, #tpu.memory_space<vmem>> -> memref<4x200x64xf32, #tpu.memory_space<vmem>>
        %dma_wait3A_585 = arith.constant 0 : i32
        %dma_wait3A_586 = arith.constant 0 : i32
        %dma_wait3A_587 = tpu.memref_slice %arg4[%mul3A_2, %dma_wait3A_585, %dma_wait3A_586] : memref<16384x200x128xf32, #tpu.memory_space<hbm>> -> memref<4x200x64xf32, #tpu.memory_space<hbm>>
        %dma_wait3A_588 = arith.constant 0 : i32
        %dma_wait3A_589 = arith.constant 0 : i32
        %dma_wait3A_590 = tpu.memref_slice %arg4[%mul3A_2, %dma_wait3A_588, %dma_wait3A_589] : memref<16384x200x128xf32, #tpu.memory_space<hbm>> -> memref<4x200x64xf32, #tpu.memory_space<hbm>>
        %dma_wait3A_591 = arith.constant 0 : i32
        %dma_wait3A_592 = arith.constant 0 : i32
        %dma_wait3A_593 = arith.constant 0 : i32
        %dma_wait3A_594 = tpu.memref_slice %arg6[%dma_wait3A_579, %dma_wait3A_591, %dma_wait3A_592, %dma_wait3A_593] : memref<2x4x200x64xf32, #tpu.memory_space<vmem>> -> memref<1x4x200x64xf32, #tpu.memory_space<vmem>>
        %dma_wait3A_595 = tpu.memref_squeeze %dma_wait3A_594 : memref<1x4x200x64xf32, #tpu.memory_space<vmem>> -> memref<4x200x64xf32, #tpu.memory_space<vmem>>
        tpu.wait_dma2 semaphore(%arg10 : memref<!tpu.dma_semaphore, #tpu.memory_space<semaphore_mem>>) src(%dma_wait3A_595 : memref<4x200x64xf32, #tpu.memory_space<vmem>>) dst(%dma_wait3A_590 : memref<4x200x64xf32, #tpu.memory_space<hbm>>)
      } else {
      }
      %dma_wait3A_318 = arith.constant 1 : i32
      %dma_wait3A_319 = arith.constant 0 : i32
      %dma_wait3A_320 = arith.constant 0 : i32
      %dma_wait3A_321 = tpu.memref_slice %arg5[%dma_wait3A_318, %dma_wait3A_319, %dma_wait3A_320] : memref<2x4x200xi32, #tpu.memory_space<vmem>> -> memref<1x4x200xi32, #tpu.memory_space<vmem>>
      %dma_wait3A_322 = tpu.memref_squeeze %dma_wait3A_321 : memref<1x4x200xi32, #tpu.memory_space<vmem>> -> memref<4x200xi32, #tpu.memory_space<vmem>>
      %dma_wait3A_323 = arith.constant 0 : i32
      %dma_wait3A_324 = tpu.memref_slice %arg2[%mul3A_2, %dma_wait3A_323] : memref<16384x200xi32, #tpu.memory_space<hbm>> -> memref<4x200xi32, #tpu.memory_space<hbm>>
      %dma_wait3A_325 = arith.constant 0 : i32
      %dma_wait3A_326 = arith.constant 0 : i32
      %dma_wait3A_327 = tpu.memref_slice %arg5[%dma_wait3A_318, %dma_wait3A_325, %dma_wait3A_326] : memref<2x4x200xi32, #tpu.memory_space<vmem>> -> memref<1x4x200xi32, #tpu.memory_space<vmem>>
      %dma_wait3A_328 = tpu.memref_squeeze %dma_wait3A_327 : memref<1x4x200xi32, #tpu.memory_space<vmem>> -> memref<4x200xi32, #tpu.memory_space<vmem>>
      %dma_wait3A_329 = arith.constant 0 : i32
      %dma_wait3A_330 = tpu.memref_slice %arg2[%mul3A_2, %dma_wait3A_329] : memref<16384x200xi32, #tpu.memory_space<hbm>> -> memref<4x200xi32, #tpu.memory_space<hbm>>
      tpu.wait_dma2 semaphore(%arg11 : memref<!tpu.dma_semaphore, #tpu.memory_space<semaphore_mem>>) src(%dma_wait3A_330 : memref<4x200xi32, #tpu.memory_space<hbm>>) dst(%dma_wait3A_328 : memref<4x200xi32, #tpu.memory_space<vmem>>)
      %dma_start3A_331 = arith.constant 1 : i32
      %dma_start3A_332 = arith.constant 0 : i32
      %dma_start3A_333 = arith.constant 1 : i32
      %dma_start3A_334 = arith.constant 0 : i32
      %dma_start3A_335 = arith.constant 0 : i32
      %dma_start3A_336 = arith.constant 0 : i32
      %dma_start3A_337 = tpu.memref_slice %arg6[%dma_start3A_333, %dma_start3A_334, %dma_start3A_335, %dma_start3A_336] : memref<2x4x200x64xf32, #tpu.memory_space<vmem>> -> memref<1x1x128x64xf32, #tpu.memory_space<vmem>>
      %dma_start3A_338 = tpu.memref_squeeze %dma_start3A_337 : memref<1x1x128x64xf32, #tpu.memory_space<vmem>> -> memref<128x64xf32, #tpu.memory_space<vmem>>
      %dma_start3A_339 = arith.constant 0 : i32
      %dma_start3A_340 = tpu.memref_slice %arg5[%dma_start3A_331, %dma_start3A_332, %dma_start3A_339] : memref<2x4x200xi32, #tpu.memory_space<vmem>> -> memref<1x1x128xi32, #tpu.memory_space<vmem>>
      %dma_start3A_341 = tpu.memref_squeeze %dma_start3A_340 : memref<1x1x128xi32, #tpu.memory_space<vmem>> -> memref<128xi32, #tpu.memory_space<vmem>>
      %dma_start3A_342 = arith.constant 0 : i32
      %dma_start3A_343 = arith.constant 0 : i32
      %dma_start3A_344 = tpu.memref_slice %arg3[%dma_start3A_342, %dma_start3A_343] : memref<100000x64xf32, #tpu.memory_space<hbm>> -> memref<100000x64xf32, #tpu.memory_space<hbm>>
      tpu.enqueue_indirect_dma source(%dma_start3A_344 : memref<100000x64xf32, #tpu.memory_space<hbm>>) target(%dma_start3A_338 : memref<128x64xf32, #tpu.memory_space<vmem>>) offsets(%dma_start3A_341 : memref<128xi32, #tpu.memory_space<vmem>>) semaphore(%arg8 : memref<!tpu.dma_semaphore, #tpu.memory_space<semaphore_mem>>)
      %dma_start3A_345 = arith.constant 1 : i32
      %dma_start3A_346 = arith.constant 0 : i32
      %dma_start3A_347 = arith.constant 1 : i32
      %dma_start3A_348 = arith.constant 0 : i32
      %dma_start3A_349 = arith.constant 128 : i32
      %dma_start3A_350 = arith.constant 0 : i32
      %dma_start3A_351 = tpu.memref_slice %arg6[%dma_start3A_347, %dma_start3A_348, %dma_start3A_349, %dma_start3A_350] : memref<2x4x200x64xf32, #tpu.memory_space<vmem>> -> memref<1x1x72x64xf32, #tpu.memory_space<vmem>>
      %dma_start3A_352 = tpu.memref_squeeze %dma_start3A_351 : memref<1x1x72x64xf32, #tpu.memory_space<vmem>> -> memref<72x64xf32, #tpu.memory_space<vmem>>
      %dma_start3A_353 = arith.constant 128 : i32
      %dma_start3A_354 = tpu.memref_slice %arg5[%dma_start3A_345, %dma_start3A_346, %dma_start3A_353] : memref<2x4x200xi32, #tpu.memory_space<vmem>> -> memref<1x1x72xi32, #tpu.memory_space<vmem>>
      %dma_start3A_355 = tpu.memref_squeeze %dma_start3A_354 : memref<1x1x72xi32, #tpu.memory_space<vmem>> -> memref<72xi32, #tpu.memory_space<vmem>>
      %dma_start3A_356 = arith.constant 0 : i32
      %dma_start3A_357 = arith.constant 0 : i32
      %dma_start3A_358 = tpu.memref_slice %arg3[%dma_start3A_356, %dma_start3A_357] : memref<100000x64xf32, #tpu.memory_space<hbm>> -> memref<100000x64xf32, #tpu.memory_space<hbm>>
      tpu.enqueue_indirect_dma source(%dma_start3A_358 : memref<100000x64xf32, #tpu.memory_space<hbm>>) target(%dma_start3A_352 : memref<72x64xf32, #tpu.memory_space<vmem>>) offsets(%dma_start3A_355 : memref<72xi32, #tpu.memory_space<vmem>>) semaphore(%arg8 : memref<!tpu.dma_semaphore, #tpu.memory_space<semaphore_mem>>)
      %dma_start3A_359 = arith.constant 1 : i32
      %dma_start3A_360 = arith.constant 1 : i32
      %dma_start3A_361 = arith.constant 1 : i32
      %dma_start3A_362 = arith.constant 1 : i32
      %dma_start3A_363 = arith.constant 0 : i32
      %dma_start3A_364 = arith.constant 0 : i32
      %dma_start3A_365 = tpu.memref_slice %arg6[%dma_start3A_361, %dma_start3A_362, %dma_start3A_363, %dma_start3A_364] : memref<2x4x200x64xf32, #tpu.memory_space<vmem>> -> memref<1x1x128x64xf32, #tpu.memory_space<vmem>>
      %dma_start3A_366 = tpu.memref_squeeze %dma_start3A_365 : memref<1x1x128x64xf32, #tpu.memory_space<vmem>> -> memref<128x64xf32, #tpu.memory_space<vmem>>
      %dma_start3A_367 = arith.constant 0 : i32
      %dma_start3A_368 = tpu.memref_slice %arg5[%dma_start3A_359, %dma_start3A_360, %dma_start3A_367] : memref<2x4x200xi32, #tpu.memory_space<vmem>> -> memref<1x1x128xi32, #tpu.memory_space<vmem>>
      %dma_start3A_369 = tpu.memref_squeeze %dma_start3A_368 : memref<1x1x128xi32, #tpu.memory_space<vmem>> -> memref<128xi32, #tpu.memory_space<vmem>>
      %dma_start3A_370 = arith.constant 0 : i32
      %dma_start3A_371 = arith.constant 0 : i32
      %dma_start3A_372 = tpu.memref_slice %arg3[%dma_start3A_370, %dma_start3A_371] : memref<100000x64xf32, #tpu.memory_space<hbm>> -> memref<100000x64xf32, #tpu.memory_space<hbm>>
      tpu.enqueue_indirect_dma source(%dma_start3A_372 : memref<100000x64xf32, #tpu.memory_space<hbm>>) target(%dma_start3A_366 : memref<128x64xf32, #tpu.memory_space<vmem>>) offsets(%dma_start3A_369 : memref<128xi32, #tpu.memory_space<vmem>>) semaphore(%arg8 : memref<!tpu.dma_semaphore, #tpu.memory_space<semaphore_mem>>)
      %dma_start3A_373 = arith.constant 1 : i32
      %dma_start3A_374 = arith.constant 1 : i32
      %dma_start3A_375 = arith.constant 1 : i32
      %dma_start3A_376 = arith.constant 1 : i32
      %dma_start3A_377 = arith.constant 128 : i32
      %dma_start3A_378 = arith.constant 0 : i32
      %dma_start3A_379 = tpu.memref_slice %arg6[%dma_start3A_375, %dma_start3A_376, %dma_start3A_377, %dma_start3A_378] : memref<2x4x200x64xf32, #tpu.memory_space<vmem>> -> memref<1x1x72x64xf32, #tpu.memory_space<vmem>>
      %dma_start3A_380 = tpu.memref_squeeze %dma_start3A_379 : memref<1x1x72x64xf32, #tpu.memory_space<vmem>> -> memref<72x64xf32, #tpu.memory_space<vmem>>
      %dma_start3A_381 = arith.constant 128 : i32
      %dma_start3A_382 = tpu.memref_slice %arg5[%dma_start3A_373, %dma_start3A_374, %dma_start3A_381] : memref<2x4x200xi32, #tpu.memory_space<vmem>> -> memref<1x1x72xi32, #tpu.memory_space<vmem>>
      %dma_start3A_383 = tpu.memref_squeeze %dma_start3A_382 : memref<1x1x72xi32, #tpu.memory_space<vmem>> -> memref<72xi32, #tpu.memory_space<vmem>>
      %dma_start3A_384 = arith.constant 0 : i32
      %dma_start3A_385 = arith.constant 0 : i32
      %dma_start3A_386 = tpu.memref_slice %arg3[%dma_start3A_384, %dma_start3A_385] : memref<100000x64xf32, #tpu.memory_space<hbm>> -> memref<100000x64xf32, #tpu.memory_space<hbm>>
      tpu.enqueue_indirect_dma source(%dma_start3A_386 : memref<100000x64xf32, #tpu.memory_space<hbm>>) target(%dma_start3A_380 : memref<72x64xf32, #tpu.memory_space<vmem>>) offsets(%dma_start3A_383 : memref<72xi32, #tpu.memory_space<vmem>>) semaphore(%arg8 : memref<!tpu.dma_semaphore, #tpu.memory_space<semaphore_mem>>)
      %dma_start3A_387 = arith.constant 1 : i32
      %dma_start3A_388 = arith.constant 2 : i32
      %dma_start3A_389 = arith.constant 1 : i32
      %dma_start3A_390 = arith.constant 2 : i32
      %dma_start3A_391 = arith.constant 0 : i32
      %dma_start3A_392 = arith.constant 0 : i32
      %dma_start3A_393 = tpu.memref_slice %arg6[%dma_start3A_389, %dma_start3A_390, %dma_start3A_391, %dma_start3A_392] : memref<2x4x200x64xf32, #tpu.memory_space<vmem>> -> memref<1x1x128x64xf32, #tpu.memory_space<vmem>>
      %dma_start3A_394 = tpu.memref_squeeze %dma_start3A_393 : memref<1x1x128x64xf32, #tpu.memory_space<vmem>> -> memref<128x64xf32, #tpu.memory_space<vmem>>
      %dma_start3A_395 = arith.constant 0 : i32
      %dma_start3A_396 = tpu.memref_slice %arg5[%dma_start3A_387, %dma_start3A_388, %dma_start3A_395] : memref<2x4x200xi32, #tpu.memory_space<vmem>> -> memref<1x1x128xi32, #tpu.memory_space<vmem>>
      %dma_start3A_397 = tpu.memref_squeeze %dma_start3A_396 : memref<1x1x128xi32, #tpu.memory_space<vmem>> -> memref<128xi32, #tpu.memory_space<vmem>>
      %dma_start3A_398 = arith.constant 0 : i32
      %dma_start3A_399 = arith.constant 0 : i32
      %dma_start3A_400 = tpu.memref_slice %arg3[%dma_start3A_398, %dma_start3A_399] : memref<100000x64xf32, #tpu.memory_space<hbm>> -> memref<100000x64xf32, #tpu.memory_space<hbm>>
      tpu.enqueue_indirect_dma source(%dma_start3A_400 : memref<100000x64xf32, #tpu.memory_space<hbm>>) target(%dma_start3A_394 : memref<128x64xf32, #tpu.memory_space<vmem>>) offsets(%dma_start3A_397 : memref<128xi32, #tpu.memory_space<vmem>>) semaphore(%arg8 : memref<!tpu.dma_semaphore, #tpu.memory_space<semaphore_mem>>)
      %dma_start3A_401 = arith.constant 1 : i32
      %dma_start3A_402 = arith.constant 2 : i32
      %dma_start3A_403 = arith.constant 1 : i32
      %dma_start3A_404 = arith.constant 2 : i32
      %dma_start3A_405 = arith.constant 128 : i32
      %dma_start3A_406 = arith.constant 0 : i32
      %dma_start3A_407 = tpu.memref_slice %arg6[%dma_start3A_403, %dma_start3A_404, %dma_start3A_405, %dma_start3A_406] : memref<2x4x200x64xf32, #tpu.memory_space<vmem>> -> memref<1x1x72x64xf32, #tpu.memory_space<vmem>>
      %dma_start3A_408 = tpu.memref_squeeze %dma_start3A_407 : memref<1x1x72x64xf32, #tpu.memory_space<vmem>> -> memref<72x64xf32, #tpu.memory_space<vmem>>
      %dma_start3A_409 = arith.constant 128 : i32
      %dma_start3A_410 = tpu.memref_slice %arg5[%dma_start3A_401, %dma_start3A_402, %dma_start3A_409] : memref<2x4x200xi32, #tpu.memory_space<vmem>> -> memref<1x1x72xi32, #tpu.memory_space<vmem>>
      %dma_start3A_411 = tpu.memref_squeeze %dma_start3A_410 : memref<1x1x72xi32, #tpu.memory_space<vmem>> -> memref<72xi32, #tpu.memory_space<vmem>>
      %dma_start3A_412 = arith.constant 0 : i32
      %dma_start3A_413 = arith.constant 0 : i32
      %dma_start3A_414 = tpu.memref_slice %arg3[%dma_start3A_412, %dma_start3A_413] : memref<100000x64xf32, #tpu.memory_space<hbm>> -> memref<100000x64xf32, #tpu.memory_space<hbm>>
      tpu.enqueue_indirect_dma source(%dma_start3A_414 : memref<100000x64xf32, #tpu.memory_space<hbm>>) target(%dma_start3A_408 : memref<72x64xf32, #tpu.memory_space<vmem>>) offsets(%dma_start3A_411 : memref<72xi32, #tpu.memory_space<vmem>>) semaphore(%arg8 : memref<!tpu.dma_semaphore, #tpu.memory_space<semaphore_mem>>)
      %dma_start3A_415 = arith.constant 1 : i32
      %dma_start3A_416 = arith.constant 3 : i32
      %dma_start3A_417 = arith.constant 1 : i32
      %dma_start3A_418 = arith.constant 3 : i32
      %dma_start3A_419 = arith.constant 0 : i32
      %dma_start3A_420 = arith.constant 0 : i32
      %dma_start3A_421 = tpu.memref_slice %arg6[%dma_start3A_417, %dma_start3A_418, %dma_start3A_419, %dma_start3A_420] : memref<2x4x200x64xf32, #tpu.memory_space<vmem>> -> memref<1x1x128x64xf32, #tpu.memory_space<vmem>>
      %dma_start3A_422 = tpu.memref_squeeze %dma_start3A_421 : memref<1x1x128x64xf32, #tpu.memory_space<vmem>> -> memref<128x64xf32, #tpu.memory_space<vmem>>
      %dma_start3A_423 = arith.constant 0 : i32
      %dma_start3A_424 = tpu.memref_slice %arg5[%dma_start3A_415, %dma_start3A_416, %dma_start3A_423] : memref<2x4x200xi32, #tpu.memory_space<vmem>> -> memref<1x1x128xi32, #tpu.memory_space<vmem>>
      %dma_start3A_425 = tpu.memref_squeeze %dma_start3A_424 : memref<1x1x128xi32, #tpu.memory_space<vmem>> -> memref<128xi32, #tpu.memory_space<vmem>>
      %dma_start3A_426 = arith.constant 0 : i32
      %dma_start3A_427 = arith.constant 0 : i32
      %dma_start3A_428 = tpu.memref_slice %arg3[%dma_start3A_426, %dma_start3A_427] : memref<100000x64xf32, #tpu.memory_space<hbm>> -> memref<100000x64xf32, #tpu.memory_space<hbm>>
      tpu.enqueue_indirect_dma source(%dma_start3A_428 : memref<100000x64xf32, #tpu.memory_space<hbm>>) target(%dma_start3A_422 : memref<128x64xf32, #tpu.memory_space<vmem>>) offsets(%dma_start3A_425 : memref<128xi32, #tpu.memory_space<vmem>>) semaphore(%arg8 : memref<!tpu.dma_semaphore, #tpu.memory_space<semaphore_mem>>)
      %dma_start3A_429 = arith.constant 1 : i32
      %dma_start3A_430 = arith.constant 3 : i32
      %dma_start3A_431 = arith.constant 1 : i32
      %dma_start3A_432 = arith.constant 3 : i32
      %dma_start3A_433 = arith.constant 128 : i32
      %dma_start3A_434 = arith.constant 0 : i32
      %dma_start3A_435 = tpu.memref_slice %arg6[%dma_start3A_431, %dma_start3A_432, %dma_start3A_433, %dma_start3A_434] : memref<2x4x200x64xf32, #tpu.memory_space<vmem>> -> memref<1x1x72x64xf32, #tpu.memory_space<vmem>>
      %dma_start3A_436 = tpu.memref_squeeze %dma_start3A_435 : memref<1x1x72x64xf32, #tpu.memory_space<vmem>> -> memref<72x64xf32, #tpu.memory_space<vmem>>
      %dma_start3A_437 = arith.constant 128 : i32
      %dma_start3A_438 = tpu.memref_slice %arg5[%dma_start3A_429, %dma_start3A_430, %dma_start3A_437] : memref<2x4x200xi32, #tpu.memory_space<vmem>> -> memref<1x1x72xi32, #tpu.memory_space<vmem>>
      %dma_start3A_439 = tpu.memref_squeeze %dma_start3A_438 : memref<1x1x72xi32, #tpu.memory_space<vmem>> -> memref<72xi32, #tpu.memory_space<vmem>>
      %dma_start3A_440 = arith.constant 0 : i32
      %dma_start3A_441 = arith.constant 0 : i32
      %dma_start3A_442 = tpu.memref_slice %arg3[%dma_start3A_440, %dma_start3A_441] : memref<100000x64xf32, #tpu.memory_space<hbm>> -> memref<100000x64xf32, #tpu.memory_space<hbm>>
      tpu.enqueue_indirect_dma source(%dma_start3A_442 : memref<100000x64xf32, #tpu.memory_space<hbm>>) target(%dma_start3A_436 : memref<72x64xf32, #tpu.memory_space<vmem>>) offsets(%dma_start3A_439 : memref<72xi32, #tpu.memory_space<vmem>>) semaphore(%arg8 : memref<!tpu.dma_semaphore, #tpu.memory_space<semaphore_mem>>)
      %dma_wait3A_443 = arith.constant 0 : i32
      %dma_wait3A_444 = arith.constant 0 : i32
      %dma_wait3A_445 = arith.constant 0 : i32
      %dma_wait3A_446 = arith.constant 0 : i32
      %dma_wait3A_447 = arith.constant 0 : i32
      %dma_wait3A_448 = arith.constant 0 : i32
      %dma_wait3A_449 = tpu.memref_slice %arg6[%dma_wait3A_445, %dma_wait3A_446, %dma_wait3A_447, %dma_wait3A_448] : memref<2x4x200x64xf32, #tpu.memory_space<vmem>> -> memref<1x1x128x64xf32, #tpu.memory_space<vmem>>
      %dma_wait3A_450 = tpu.memref_squeeze %dma_wait3A_449 : memref<1x1x128x64xf32, #tpu.memory_space<vmem>> -> memref<128x64xf32, #tpu.memory_space<vmem>>
      %dma_wait3A_451 = arith.constant 0 : i32
      %dma_wait3A_452 = tpu.memref_slice %arg5[%dma_wait3A_443, %dma_wait3A_444, %dma_wait3A_451] : memref<2x4x200xi32, #tpu.memory_space<vmem>> -> memref<1x1x128xi32, #tpu.memory_space<vmem>>
      %dma_wait3A_453 = tpu.memref_squeeze %dma_wait3A_452 : memref<1x1x128xi32, #tpu.memory_space<vmem>> -> memref<128xi32, #tpu.memory_space<vmem>>
      %dma_wait3A_454 = arith.constant 0 : i32
      %dma_wait3A_455 = arith.constant 0 : i32
      %dma_wait3A_456 = tpu.memref_slice %arg3[%dma_wait3A_454, %dma_wait3A_455] : memref<100000x64xf32, #tpu.memory_space<hbm>> -> memref<100000x64xf32, #tpu.memory_space<hbm>>
      tpu.wait_indirect_dma semaphore(%arg7 : memref<!tpu.dma_semaphore, #tpu.memory_space<semaphore_mem>>) src(%dma_wait3A_456 : memref<100000x64xf32, #tpu.memory_space<hbm>>) dst(%dma_wait3A_450 : memref<128x64xf32, #tpu.memory_space<vmem>>)
      %dma_wait3A_457 = arith.constant 0 : i32
      %dma_wait3A_458 = arith.constant 0 : i32
      %dma_wait3A_459 = arith.constant 0 : i32
      %dma_wait3A_460 = arith.constant 0 : i32
      %dma_wait3A_461 = arith.constant 128 : i32
      %dma_wait3A_462 = arith.constant 0 : i32
      %dma_wait3A_463 = tpu.memref_slice %arg6[%dma_wait3A_459, %dma_wait3A_460, %dma_wait3A_461, %dma_wait3A_462] : memref<2x4x200x64xf32, #tpu.memory_space<vmem>> -> memref<1x1x72x64xf32, #tpu.memory_space<vmem>>
      %dma_wait3A_464 = tpu.memref_squeeze %dma_wait3A_463 : memref<1x1x72x64xf32, #tpu.memory_space<vmem>> -> memref<72x64xf32, #tpu.memory_space<vmem>>
      %dma_wait3A_465 = arith.constant 128 : i32
      %dma_wait3A_466 = tpu.memref_slice %arg5[%dma_wait3A_457, %dma_wait3A_458, %dma_wait3A_465] : memref<2x4x200xi32, #tpu.memory_space<vmem>> -> memref<1x1x72xi32, #tpu.memory_space<vmem>>
      %dma_wait3A_467 = tpu.memref_squeeze %dma_wait3A_466 : memref<1x1x72xi32, #tpu.memory_space<vmem>> -> memref<72xi32, #tpu.memory_space<vmem>>
      %dma_wait3A_468 = arith.constant 0 : i32
      %dma_wait3A_469 = arith.constant 0 : i32
      %dma_wait3A_470 = tpu.memref_slice %arg3[%dma_wait3A_468, %dma_wait3A_469] : memref<100000x64xf32, #tpu.memory_space<hbm>> -> memref<100000x64xf32, #tpu.memory_space<hbm>>
      tpu.wait_indirect_dma semaphore(%arg7 : memref<!tpu.dma_semaphore, #tpu.memory_space<semaphore_mem>>) src(%dma_wait3A_470 : memref<100000x64xf32, #tpu.memory_space<hbm>>) dst(%dma_wait3A_464 : memref<72x64xf32, #tpu.memory_space<vmem>>)
      %dma_wait3A_471 = arith.constant 0 : i32
      %dma_wait3A_472 = arith.constant 1 : i32
      %dma_wait3A_473 = arith.constant 0 : i32
      %dma_wait3A_474 = arith.constant 1 : i32
      %dma_wait3A_475 = arith.constant 0 : i32
      %dma_wait3A_476 = arith.constant 0 : i32
      %dma_wait3A_477 = tpu.memref_slice %arg6[%dma_wait3A_473, %dma_wait3A_474, %dma_wait3A_475, %dma_wait3A_476] : memref<2x4x200x64xf32, #tpu.memory_space<vmem>> -> memref<1x1x128x64xf32, #tpu.memory_space<vmem>>
      %dma_wait3A_478 = tpu.memref_squeeze %dma_wait3A_477 : memref<1x1x128x64xf32, #tpu.memory_space<vmem>> -> memref<128x64xf32, #tpu.memory_space<vmem>>
      %dma_wait3A_479 = arith.constant 0 : i32
      %dma_wait3A_480 = tpu.memref_slice %arg5[%dma_wait3A_471, %dma_wait3A_472, %dma_wait3A_479] : memref<2x4x200xi32, #tpu.memory_space<vmem>> -> memref<1x1x128xi32, #tpu.memory_space<vmem>>
      %dma_wait3A_481 = tpu.memref_squeeze %dma_wait3A_480 : memref<1x1x128xi32, #tpu.memory_space<vmem>> -> memref<128xi32, #tpu.memory_space<vmem>>
      %dma_wait3A_482 = arith.constant 0 : i32
      %dma_wait3A_483 = arith.constant 0 : i32
      %dma_wait3A_484 = tpu.memref_slice %arg3[%dma_wait3A_482, %dma_wait3A_483] : memref<100000x64xf32, #tpu.memory_space<hbm>> -> memref<100000x64xf32, #tpu.memory_space<hbm>>
      tpu.wait_indirect_dma semaphore(%arg7 : memref<!tpu.dma_semaphore, #tpu.memory_space<semaphore_mem>>) src(%dma_wait3A_484 : memref<100000x64xf32, #tpu.memory_space<hbm>>) dst(%dma_wait3A_478 : memref<128x64xf32, #tpu.memory_space<vmem>>)
      %dma_wait3A_485 = arith.constant 0 : i32
      %dma_wait3A_486 = arith.constant 1 : i32
      %dma_wait3A_487 = arith.constant 0 : i32
      %dma_wait3A_488 = arith.constant 1 : i32
      %dma_wait3A_489 = arith.constant 128 : i32
      %dma_wait3A_490 = arith.constant 0 : i32
      %dma_wait3A_491 = tpu.memref_slice %arg6[%dma_wait3A_487, %dma_wait3A_488, %dma_wait3A_489, %dma_wait3A_490] : memref<2x4x200x64xf32, #tpu.memory_space<vmem>> -> memref<1x1x72x64xf32, #tpu.memory_space<vmem>>
      %dma_wait3A_492 = tpu.memref_squeeze %dma_wait3A_491 : memref<1x1x72x64xf32, #tpu.memory_space<vmem>> -> memref<72x64xf32, #tpu.memory_space<vmem>>
      %dma_wait3A_493 = arith.constant 128 : i32
      %dma_wait3A_494 = tpu.memref_slice %arg5[%dma_wait3A_485, %dma_wait3A_486, %dma_wait3A_493] : memref<2x4x200xi32, #tpu.memory_space<vmem>> -> memref<1x1x72xi32, #tpu.memory_space<vmem>>
      %dma_wait3A_495 = tpu.memref_squeeze %dma_wait3A_494 : memref<1x1x72xi32, #tpu.memory_space<vmem>> -> memref<72xi32, #tpu.memory_space<vmem>>
      %dma_wait3A_496 = arith.constant 0 : i32
      %dma_wait3A_497 = arith.constant 0 : i32
      %dma_wait3A_498 = tpu.memref_slice %arg3[%dma_wait3A_496, %dma_wait3A_497] : memref<100000x64xf32, #tpu.memory_space<hbm>> -> memref<100000x64xf32, #tpu.memory_space<hbm>>
      tpu.wait_indirect_dma semaphore(%arg7 : memref<!tpu.dma_semaphore, #tpu.memory_space<semaphore_mem>>) src(%dma_wait3A_498 : memref<100000x64xf32, #tpu.memory_space<hbm>>) dst(%dma_wait3A_492 : memref<72x64xf32, #tpu.memory_space<vmem>>)
      %dma_wait3A_499 = arith.constant 0 : i32
      %dma_wait3A_500 = arith.constant 2 : i32
      %dma_wait3A_501 = arith.constant 0 : i32
      %dma_wait3A_502 = arith.constant 2 : i32
      %dma_wait3A_503 = arith.constant 0 : i32
      %dma_wait3A_504 = arith.constant 0 : i32
      %dma_wait3A_505 = tpu.memref_slice %arg6[%dma_wait3A_501, %dma_wait3A_502, %dma_wait3A_503, %dma_wait3A_504] : memref<2x4x200x64xf32, #tpu.memory_space<vmem>> -> memref<1x1x128x64xf32, #tpu.memory_space<vmem>>
      %dma_wait3A_506 = tpu.memref_squeeze %dma_wait3A_505 : memref<1x1x128x64xf32, #tpu.memory_space<vmem>> -> memref<128x64xf32, #tpu.memory_space<vmem>>
      %dma_wait3A_507 = arith.constant 0 : i32
      %dma_wait3A_508 = tpu.memref_slice %arg5[%dma_wait3A_499, %dma_wait3A_500, %dma_wait3A_507] : memref<2x4x200xi32, #tpu.memory_space<vmem>> -> memref<1x1x128xi32, #tpu.memory_space<vmem>>
      %dma_wait3A_509 = tpu.memref_squeeze %dma_wait3A_508 : memref<1x1x128xi32, #tpu.memory_space<vmem>> -> memref<128xi32, #tpu.memory_space<vmem>>
      %dma_wait3A_510 = arith.constant 0 : i32
      %dma_wait3A_511 = arith.constant 0 : i32
      %dma_wait3A_512 = tpu.memref_slice %arg3[%dma_wait3A_510, %dma_wait3A_511] : memref<100000x64xf32, #tpu.memory_space<hbm>> -> memref<100000x64xf32, #tpu.memory_space<hbm>>
      tpu.wait_indirect_dma semaphore(%arg7 : memref<!tpu.dma_semaphore, #tpu.memory_space<semaphore_mem>>) src(%dma_wait3A_512 : memref<100000x64xf32, #tpu.memory_space<hbm>>) dst(%dma_wait3A_506 : memref<128x64xf32, #tpu.memory_space<vmem>>)
      %dma_wait3A_513 = arith.constant 0 : i32
      %dma_wait3A_514 = arith.constant 2 : i32
      %dma_wait3A_515 = arith.constant 0 : i32
      %dma_wait3A_516 = arith.constant 2 : i32
      %dma_wait3A_517 = arith.constant 128 : i32
      %dma_wait3A_518 = arith.constant 0 : i32
      %dma_wait3A_519 = tpu.memref_slice %arg6[%dma_wait3A_515, %dma_wait3A_516, %dma_wait3A_517, %dma_wait3A_518] : memref<2x4x200x64xf32, #tpu.memory_space<vmem>> -> memref<1x1x72x64xf32, #tpu.memory_space<vmem>>
      %dma_wait3A_520 = tpu.memref_squeeze %dma_wait3A_519 : memref<1x1x72x64xf32, #tpu.memory_space<vmem>> -> memref<72x64xf32, #tpu.memory_space<vmem>>
      %dma_wait3A_521 = arith.constant 128 : i32
      %dma_wait3A_522 = tpu.memref_slice %arg5[%dma_wait3A_513, %dma_wait3A_514, %dma_wait3A_521] : memref<2x4x200xi32, #tpu.memory_space<vmem>> -> memref<1x1x72xi32, #tpu.memory_space<vmem>>
      %dma_wait3A_523 = tpu.memref_squeeze %dma_wait3A_522 : memref<1x1x72xi32, #tpu.memory_space<vmem>> -> memref<72xi32, #tpu.memory_space<vmem>>
      %dma_wait3A_524 = arith.constant 0 : i32
      %dma_wait3A_525 = arith.constant 0 : i32
      %dma_wait3A_526 = tpu.memref_slice %arg3[%dma_wait3A_524, %dma_wait3A_525] : memref<100000x64xf32, #tpu.memory_space<hbm>> -> memref<100000x64xf32, #tpu.memory_space<hbm>>
      tpu.wait_indirect_dma semaphore(%arg7 : memref<!tpu.dma_semaphore, #tpu.memory_space<semaphore_mem>>) src(%dma_wait3A_526 : memref<100000x64xf32, #tpu.memory_space<hbm>>) dst(%dma_wait3A_520 : memref<72x64xf32, #tpu.memory_space<vmem>>)
      %dma_wait3A_527 = arith.constant 0 : i32
      %dma_wait3A_528 = arith.constant 3 : i32
      %dma_wait3A_529 = arith.constant 0 : i32
      %dma_wait3A_530 = arith.constant 3 : i32
      %dma_wait3A_531 = arith.constant 0 : i32
      %dma_wait3A_532 = arith.constant 0 : i32
      %dma_wait3A_533 = tpu.memref_slice %arg6[%dma_wait3A_529, %dma_wait3A_530, %dma_wait3A_531, %dma_wait3A_532] : memref<2x4x200x64xf32, #tpu.memory_space<vmem>> -> memref<1x1x128x64xf32, #tpu.memory_space<vmem>>
      %dma_wait3A_534 = tpu.memref_squeeze %dma_wait3A_533 : memref<1x1x128x64xf32, #tpu.memory_space<vmem>> -> memref<128x64xf32, #tpu.memory_space<vmem>>
      %dma_wait3A_535 = arith.constant 0 : i32
      %dma_wait3A_536 = tpu.memref_slice %arg5[%dma_wait3A_527, %dma_wait3A_528, %dma_wait3A_535] : memref<2x4x200xi32, #tpu.memory_space<vmem>> -> memref<1x1x128xi32, #tpu.memory_space<vmem>>
      %dma_wait3A_537 = tpu.memref_squeeze %dma_wait3A_536 : memref<1x1x128xi32, #tpu.memory_space<vmem>> -> memref<128xi32, #tpu.memory_space<vmem>>
      %dma_wait3A_538 = arith.constant 0 : i32
      %dma_wait3A_539 = arith.constant 0 : i32
      %dma_wait3A_540 = tpu.memref_slice %arg3[%dma_wait3A_538, %dma_wait3A_539] : memref<100000x64xf32, #tpu.memory_space<hbm>> -> memref<100000x64xf32, #tpu.memory_space<hbm>>
      tpu.wait_indirect_dma semaphore(%arg7 : memref<!tpu.dma_semaphore, #tpu.memory_space<semaphore_mem>>) src(%dma_wait3A_540 : memref<100000x64xf32, #tpu.memory_space<hbm>>) dst(%dma_wait3A_534 : memref<128x64xf32, #tpu.memory_space<vmem>>)
      %dma_wait3A_541 = arith.constant 0 : i32
      %dma_wait3A_542 = arith.constant 3 : i32
      %dma_wait3A_543 = arith.constant 0 : i32
      %dma_wait3A_544 = arith.constant 3 : i32
      %dma_wait3A_545 = arith.constant 128 : i32
      %dma_wait3A_546 = arith.constant 0 : i32
      %dma_wait3A_547 = tpu.memref_slice %arg6[%dma_wait3A_543, %dma_wait3A_544, %dma_wait3A_545, %dma_wait3A_546] : memref<2x4x200x64xf32, #tpu.memory_space<vmem>> -> memref<1x1x72x64xf32, #tpu.memory_space<vmem>>
      %dma_wait3A_548 = tpu.memref_squeeze %dma_wait3A_547 : memref<1x1x72x64xf32, #tpu.memory_space<vmem>> -> memref<72x64xf32, #tpu.memory_space<vmem>>
      %dma_wait3A_549 = arith.constant 128 : i32
      %dma_wait3A_550 = tpu.memref_slice %arg5[%dma_wait3A_541, %dma_wait3A_542, %dma_wait3A_549] : memref<2x4x200xi32, #tpu.memory_space<vmem>> -> memref<1x1x72xi32, #tpu.memory_space<vmem>>
      %dma_wait3A_551 = tpu.memref_squeeze %dma_wait3A_550 : memref<1x1x72xi32, #tpu.memory_space<vmem>> -> memref<72xi32, #tpu.memory_space<vmem>>
      %dma_wait3A_552 = arith.constant 0 : i32
      %dma_wait3A_553 = arith.constant 0 : i32
      %dma_wait3A_554 = tpu.memref_slice %arg3[%dma_wait3A_552, %dma_wait3A_553] : memref<100000x64xf32, #tpu.memory_space<hbm>> -> memref<100000x64xf32, #tpu.memory_space<hbm>>
      tpu.wait_indirect_dma semaphore(%arg7 : memref<!tpu.dma_semaphore, #tpu.memory_space<semaphore_mem>>) src(%dma_wait3A_554 : memref<100000x64xf32, #tpu.memory_space<hbm>>) dst(%dma_wait3A_548 : memref<72x64xf32, #tpu.memory_space<vmem>>)
      %mul3A_555 = arith.constant 4 : i32
      %mul3A_556 = arith.muli %mul3A_175, %mul3A_555 : i32
      %add3A_557 = arith.addi %mul3A_2, %mul3A_556 : i32
      %dma_start3A_558 = arith.constant 0 : i32
      %dma_start3A_559 = arith.constant 0 : i32
      %dma_start3A_560 = arith.constant 0 : i32
      %dma_start3A_561 = arith.constant 0 : i32
      %dma_start3A_562 = tpu.memref_slice %arg6[%dma_start3A_558, %dma_start3A_559, %dma_start3A_560, %dma_start3A_561] : memref<2x4x200x64xf32, #tpu.memory_space<vmem>> -> memref<1x4x200x64xf32, #tpu.memory_space<vmem>>
      %dma_start3A_563 = tpu.memref_squeeze %dma_start3A_562 : memref<1x4x200x64xf32, #tpu.memory_space<vmem>> -> memref<4x200x64xf32, #tpu.memory_space<vmem>>
      %dma_start3A_564 = arith.constant 0 : i32
      %dma_start3A_565 = arith.constant 0 : i32
      %dma_start3A_566 = tpu.memref_slice %arg4[%add3A_557, %dma_start3A_564, %dma_start3A_565] : memref<16384x200x128xf32, #tpu.memory_space<hbm>> -> memref<4x200x64xf32, #tpu.memory_space<hbm>>
      %dma_start3A_567 = arith.constant 0 : i32
      %dma_start3A_568 = arith.constant 0 : i32
      %dma_start3A_569 = tpu.memref_slice %arg4[%add3A_557, %dma_start3A_567, %dma_start3A_568] : memref<16384x200x128xf32, #tpu.memory_space<hbm>> -> memref<4x200x64xf32, #tpu.memory_space<hbm>>
      %dma_start3A_570 = arith.constant 0 : i32
      %dma_start3A_571 = arith.constant 0 : i32
      %dma_start3A_572 = arith.constant 0 : i32
      %dma_start3A_573 = tpu.memref_slice %arg6[%dma_start3A_558, %dma_start3A_570, %dma_start3A_571, %dma_start3A_572] : memref<2x4x200x64xf32, #tpu.memory_space<vmem>> -> memref<1x4x200x64xf32, #tpu.memory_space<vmem>>
      %dma_start3A_574 = tpu.memref_squeeze %dma_start3A_573 : memref<1x4x200x64xf32, #tpu.memory_space<vmem>> -> memref<4x200x64xf32, #tpu.memory_space<vmem>>
      tpu.enqueue_dma source(%dma_start3A_574 : memref<4x200x64xf32, #tpu.memory_space<vmem>>) target(%dma_start3A_569 : memref<4x200x64xf32, #tpu.memory_space<hbm>>) target_semaphore(%arg9 : memref<!tpu.dma_semaphore, #tpu.memory_space<semaphore_mem>>)
      %lt3A = arith.constant 63 : i32
      %lt3A_575 = arith.cmpi slt, %scan3A_173, %lt3A : i32
      %convert_element_type3A_576 = arith.extui %lt3A_575 : i1 to i32
      %cond3A_577 = arith.constant 0 : i32
      %cond3A_578 = arith.cmpi ne, %convert_element_type3A_576, %cond3A_577 : i32
      scf.if %cond3A_578 {
        %add3A_579 = arith.constant 2 : i32
        %add3A_580 = arith.addi %mul3A_175, %add3A_579 : i32
        %mul3A_581 = arith.constant 4 : i32
        %mul3A_582 = arith.muli %add3A_580, %mul3A_581 : i32
        %add3A_583 = arith.addi %mul3A_2, %mul3A_582 : i32
        %dma_start3A_584 = arith.constant 0 : i32
        %dma_start3A_585 = arith.constant 0 : i32
        %dma_start3A_586 = arith.constant 0 : i32
        %dma_start3A_587 = tpu.memref_slice %arg5[%dma_start3A_584, %dma_start3A_585, %dma_start3A_586] : memref<2x4x200xi32, #tpu.memory_space<vmem>> -> memref<1x4x200xi32, #tpu.memory_space<vmem>>
        %dma_start3A_588 = tpu.memref_squeeze %dma_start3A_587 : memref<1x4x200xi32, #tpu.memory_space<vmem>> -> memref<4x200xi32, #tpu.memory_space<vmem>>
        %dma_start3A_589 = arith.constant 0 : i32
        %dma_start3A_590 = tpu.memref_slice %arg2[%add3A_583, %dma_start3A_589] : memref<16384x200xi32, #tpu.memory_space<hbm>> -> memref<4x200xi32, #tpu.memory_space<hbm>>
        %dma_start3A_591 = arith.constant 0 : i32
        %dma_start3A_592 = arith.constant 0 : i32
        %dma_start3A_593 = tpu.memref_slice %arg5[%dma_start3A_584, %dma_start3A_591, %dma_start3A_592] : memref<2x4x200xi32, #tpu.memory_space<vmem>> -> memref<1x4x200xi32, #tpu.memory_space<vmem>>
        %dma_start3A_594 = tpu.memref_squeeze %dma_start3A_593 : memref<1x4x200xi32, #tpu.memory_space<vmem>> -> memref<4x200xi32, #tpu.memory_space<vmem>>
        %dma_start3A_595 = arith.constant 0 : i32
        %dma_start3A_596 = tpu.memref_slice %arg2[%add3A_583, %dma_start3A_595] : memref<16384x200xi32, #tpu.memory_space<hbm>> -> memref<4x200xi32, #tpu.memory_space<hbm>>
        tpu.enqueue_dma source(%dma_start3A_596 : memref<4x200xi32, #tpu.memory_space<hbm>>) target(%dma_start3A_594 : memref<4x200xi32, #tpu.memory_space<vmem>>) target_semaphore(%arg11 : memref<!tpu.dma_semaphore, #tpu.memory_space<semaphore_mem>>)
      } else {
      }
    }
    %scan3A_9 = arith.constant 64 : i32
    %dma_wait3A = arith.constant 1 : i32
    %dma_wait3A_10 = arith.constant 0 : i32
    %dma_wait3A_11 = arith.constant 1 : i32
    %dma_wait3A_12 = arith.constant 0 : i32
    %dma_wait3A_13 = arith.constant 0 : i32
    %dma_wait3A_14 = arith.constant 0 : i32
    %dma_wait3A_15 = tpu.memref_slice %arg6[%dma_wait3A_11, %dma_wait3A_12, %dma_wait3A_13, %dma_wait3A_14] : memref<2x4x200x64xf32, #tpu.memory_space<vmem>> -> memref<1x1x128x64xf32, #tpu.memory_space<vmem>>
    %dma_wait3A_16 = tpu.memref_squeeze %dma_wait3A_15 : memref<1x1x128x64xf32, #tpu.memory_space<vmem>> -> memref<128x64xf32, #tpu.memory_space<vmem>>
    %dma_wait3A_17 = arith.constant 0 : i32
    %dma_wait3A_18 = tpu.memref_slice %arg5[%dma_wait3A, %dma_wait3A_10, %dma_wait3A_17] : memref<2x4x200xi32, #tpu.memory_space<vmem>> -> memref<1x1x128xi32, #tpu.memory_space<vmem>>
    %dma_wait3A_19 = tpu.memref_squeeze %dma_wait3A_18 : memref<1x1x128xi32, #tpu.memory_space<vmem>> -> memref<128xi32, #tpu.memory_space<vmem>>
    %dma_wait3A_20 = arith.constant 0 : i32
    %dma_wait3A_21 = arith.constant 0 : i32
    %dma_wait3A_22 = tpu.memref_slice %arg3[%dma_wait3A_20, %dma_wait3A_21] : memref<100000x64xf32, #tpu.memory_space<hbm>> -> memref<100000x64xf32, #tpu.memory_space<hbm>>
    tpu.wait_indirect_dma semaphore(%arg8 : memref<!tpu.dma_semaphore, #tpu.memory_space<semaphore_mem>>) src(%dma_wait3A_22 : memref<100000x64xf32, #tpu.memory_space<hbm>>) dst(%dma_wait3A_16 : memref<128x64xf32, #tpu.memory_space<vmem>>)
    %dma_wait3A_23 = arith.constant 1 : i32
    %dma_wait3A_24 = arith.constant 0 : i32
    %dma_wait3A_25 = arith.constant 1 : i32
    %dma_wait3A_26 = arith.constant 0 : i32
    %dma_wait3A_27 = arith.constant 128 : i32
    %dma_wait3A_28 = arith.constant 0 : i32
    %dma_wait3A_29 = tpu.memref_slice %arg6[%dma_wait3A_25, %dma_wait3A_26, %dma_wait3A_27, %dma_wait3A_28] : memref<2x4x200x64xf32, #tpu.memory_space<vmem>> -> memref<1x1x72x64xf32, #tpu.memory_space<vmem>>
    %dma_wait3A_30 = tpu.memref_squeeze %dma_wait3A_29 : memref<1x1x72x64xf32, #tpu.memory_space<vmem>> -> memref<72x64xf32, #tpu.memory_space<vmem>>
    %dma_wait3A_31 = arith.constant 128 : i32
    %dma_wait3A_32 = tpu.memref_slice %arg5[%dma_wait3A_23, %dma_wait3A_24, %dma_wait3A_31] : memref<2x4x200xi32, #tpu.memory_space<vmem>> -> memref<1x1x72xi32, #tpu.memory_space<vmem>>
    %dma_wait3A_33 = tpu.memref_squeeze %dma_wait3A_32 : memref<1x1x72xi32, #tpu.memory_space<vmem>> -> memref<72xi32, #tpu.memory_space<vmem>>
    %dma_wait3A_34 = arith.constant 0 : i32
    %dma_wait3A_35 = arith.constant 0 : i32
    %dma_wait3A_36 = tpu.memref_slice %arg3[%dma_wait3A_34, %dma_wait3A_35] : memref<100000x64xf32, #tpu.memory_space<hbm>> -> memref<100000x64xf32, #tpu.memory_space<hbm>>
    tpu.wait_indirect_dma semaphore(%arg8 : memref<!tpu.dma_semaphore, #tpu.memory_space<semaphore_mem>>) src(%dma_wait3A_36 : memref<100000x64xf32, #tpu.memory_space<hbm>>) dst(%dma_wait3A_30 : memref<72x64xf32, #tpu.memory_space<vmem>>)
    %dma_wait3A_37 = arith.constant 1 : i32
    %dma_wait3A_38 = arith.constant 1 : i32
    %dma_wait3A_39 = arith.constant 1 : i32
    %dma_wait3A_40 = arith.constant 1 : i32
    %dma_wait3A_41 = arith.constant 0 : i32
    %dma_wait3A_42 = arith.constant 0 : i32
    %dma_wait3A_43 = tpu.memref_slice %arg6[%dma_wait3A_39, %dma_wait3A_40, %dma_wait3A_41, %dma_wait3A_42] : memref<2x4x200x64xf32, #tpu.memory_space<vmem>> -> memref<1x1x128x64xf32, #tpu.memory_space<vmem>>
    %dma_wait3A_44 = tpu.memref_squeeze %dma_wait3A_43 : memref<1x1x128x64xf32, #tpu.memory_space<vmem>> -> memref<128x64xf32, #tpu.memory_space<vmem>>
    %dma_wait3A_45 = arith.constant 0 : i32
    %dma_wait3A_46 = tpu.memref_slice %arg5[%dma_wait3A_37, %dma_wait3A_38, %dma_wait3A_45] : memref<2x4x200xi32, #tpu.memory_space<vmem>> -> memref<1x1x128xi32, #tpu.memory_space<vmem>>
    %dma_wait3A_47 = tpu.memref_squeeze %dma_wait3A_46 : memref<1x1x128xi32, #tpu.memory_space<vmem>> -> memref<128xi32, #tpu.memory_space<vmem>>
    %dma_wait3A_48 = arith.constant 0 : i32
    %dma_wait3A_49 = arith.constant 0 : i32
    %dma_wait3A_50 = tpu.memref_slice %arg3[%dma_wait3A_48, %dma_wait3A_49] : memref<100000x64xf32, #tpu.memory_space<hbm>> -> memref<100000x64xf32, #tpu.memory_space<hbm>>
    tpu.wait_indirect_dma semaphore(%arg8 : memref<!tpu.dma_semaphore, #tpu.memory_space<semaphore_mem>>) src(%dma_wait3A_50 : memref<100000x64xf32, #tpu.memory_space<hbm>>) dst(%dma_wait3A_44 : memref<128x64xf32, #tpu.memory_space<vmem>>)
    %dma_wait3A_51 = arith.constant 1 : i32
    %dma_wait3A_52 = arith.constant 1 : i32
    %dma_wait3A_53 = arith.constant 1 : i32
    %dma_wait3A_54 = arith.constant 1 : i32
    %dma_wait3A_55 = arith.constant 128 : i32
    %dma_wait3A_56 = arith.constant 0 : i32
    %dma_wait3A_57 = tpu.memref_slice %arg6[%dma_wait3A_53, %dma_wait3A_54, %dma_wait3A_55, %dma_wait3A_56] : memref<2x4x200x64xf32, #tpu.memory_space<vmem>> -> memref<1x1x72x64xf32, #tpu.memory_space<vmem>>
    %dma_wait3A_58 = tpu.memref_squeeze %dma_wait3A_57 : memref<1x1x72x64xf32, #tpu.memory_space<vmem>> -> memref<72x64xf32, #tpu.memory_space<vmem>>
    %dma_wait3A_59 = arith.constant 128 : i32
    %dma_wait3A_60 = tpu.memref_slice %arg5[%dma_wait3A_51, %dma_wait3A_52, %dma_wait3A_59] : memref<2x4x200xi32, #tpu.memory_space<vmem>> -> memref<1x1x72xi32, #tpu.memory_space<vmem>>
    %dma_wait3A_61 = tpu.memref_squeeze %dma_wait3A_60 : memref<1x1x72xi32, #tpu.memory_space<vmem>> -> memref<72xi32, #tpu.memory_space<vmem>>
    %dma_wait3A_62 = arith.constant 0 : i32
    %dma_wait3A_63 = arith.constant 0 : i32
    %dma_wait3A_64 = tpu.memref_slice %arg3[%dma_wait3A_62, %dma_wait3A_63] : memref<100000x64xf32, #tpu.memory_space<hbm>> -> memref<100000x64xf32, #tpu.memory_space<hbm>>
    tpu.wait_indirect_dma semaphore(%arg8 : memref<!tpu.dma_semaphore, #tpu.memory_space<semaphore_mem>>) src(%dma_wait3A_64 : memref<100000x64xf32, #tpu.memory_space<hbm>>) dst(%dma_wait3A_58 : memref<72x64xf32, #tpu.memory_space<vmem>>)
    %dma_wait3A_65 = arith.constant 1 : i32
    %dma_wait3A_66 = arith.constant 2 : i32
    %dma_wait3A_67 = arith.constant 1 : i32
    %dma_wait3A_68 = arith.constant 2 : i32
    %dma_wait3A_69 = arith.constant 0 : i32
    %dma_wait3A_70 = arith.constant 0 : i32
    %dma_wait3A_71 = tpu.memref_slice %arg6[%dma_wait3A_67, %dma_wait3A_68, %dma_wait3A_69, %dma_wait3A_70] : memref<2x4x200x64xf32, #tpu.memory_space<vmem>> -> memref<1x1x128x64xf32, #tpu.memory_space<vmem>>
    %dma_wait3A_72 = tpu.memref_squeeze %dma_wait3A_71 : memref<1x1x128x64xf32, #tpu.memory_space<vmem>> -> memref<128x64xf32, #tpu.memory_space<vmem>>
    %dma_wait3A_73 = arith.constant 0 : i32
    %dma_wait3A_74 = tpu.memref_slice %arg5[%dma_wait3A_65, %dma_wait3A_66, %dma_wait3A_73] : memref<2x4x200xi32, #tpu.memory_space<vmem>> -> memref<1x1x128xi32, #tpu.memory_space<vmem>>
    %dma_wait3A_75 = tpu.memref_squeeze %dma_wait3A_74 : memref<1x1x128xi32, #tpu.memory_space<vmem>> -> memref<128xi32, #tpu.memory_space<vmem>>
    %dma_wait3A_76 = arith.constant 0 : i32
    %dma_wait3A_77 = arith.constant 0 : i32
    %dma_wait3A_78 = tpu.memref_slice %arg3[%dma_wait3A_76, %dma_wait3A_77] : memref<100000x64xf32, #tpu.memory_space<hbm>> -> memref<100000x64xf32, #tpu.memory_space<hbm>>
    tpu.wait_indirect_dma semaphore(%arg8 : memref<!tpu.dma_semaphore, #tpu.memory_space<semaphore_mem>>) src(%dma_wait3A_78 : memref<100000x64xf32, #tpu.memory_space<hbm>>) dst(%dma_wait3A_72 : memref<128x64xf32, #tpu.memory_space<vmem>>)
    %dma_wait3A_79 = arith.constant 1 : i32
    %dma_wait3A_80 = arith.constant 2 : i32
    %dma_wait3A_81 = arith.constant 1 : i32
    %dma_wait3A_82 = arith.constant 2 : i32
    %dma_wait3A_83 = arith.constant 128 : i32
    %dma_wait3A_84 = arith.constant 0 : i32
    %dma_wait3A_85 = tpu.memref_slice %arg6[%dma_wait3A_81, %dma_wait3A_82, %dma_wait3A_83, %dma_wait3A_84] : memref<2x4x200x64xf32, #tpu.memory_space<vmem>> -> memref<1x1x72x64xf32, #tpu.memory_space<vmem>>
    %dma_wait3A_86 = tpu.memref_squeeze %dma_wait3A_85 : memref<1x1x72x64xf32, #tpu.memory_space<vmem>> -> memref<72x64xf32, #tpu.memory_space<vmem>>
    %dma_wait3A_87 = arith.constant 128 : i32
    %dma_wait3A_88 = tpu.memref_slice %arg5[%dma_wait3A_79, %dma_wait3A_80, %dma_wait3A_87] : memref<2x4x200xi32, #tpu.memory_space<vmem>> -> memref<1x1x72xi32, #tpu.memory_space<vmem>>
    %dma_wait3A_89 = tpu.memref_squeeze %dma_wait3A_88 : memref<1x1x72xi32, #tpu.memory_space<vmem>> -> memref<72xi32, #tpu.memory_space<vmem>>
    %dma_wait3A_90 = arith.constant 0 : i32
    %dma_wait3A_91 = arith.constant 0 : i32
    %dma_wait3A_92 = tpu.memref_slice %arg3[%dma_wait3A_90, %dma_wait3A_91] : memref<100000x64xf32, #tpu.memory_space<hbm>> -> memref<100000x64xf32, #tpu.memory_space<hbm>>
    tpu.wait_indirect_dma semaphore(%arg8 : memref<!tpu.dma_semaphore, #tpu.memory_space<semaphore_mem>>) src(%dma_wait3A_92 : memref<100000x64xf32, #tpu.memory_space<hbm>>) dst(%dma_wait3A_86 : memref<72x64xf32, #tpu.memory_space<vmem>>)
    %dma_wait3A_93 = arith.constant 1 : i32
    %dma_wait3A_94 = arith.constant 3 : i32
    %dma_wait3A_95 = arith.constant 1 : i32
    %dma_wait3A_96 = arith.constant 3 : i32
    %dma_wait3A_97 = arith.constant 0 : i32
    %dma_wait3A_98 = arith.constant 0 : i32
    %dma_wait3A_99 = tpu.memref_slice %arg6[%dma_wait3A_95, %dma_wait3A_96, %dma_wait3A_97, %dma_wait3A_98] : memref<2x4x200x64xf32, #tpu.memory_space<vmem>> -> memref<1x1x128x64xf32, #tpu.memory_space<vmem>>
    %dma_wait3A_100 = tpu.memref_squeeze %dma_wait3A_99 : memref<1x1x128x64xf32, #tpu.memory_space<vmem>> -> memref<128x64xf32, #tpu.memory_space<vmem>>
    %dma_wait3A_101 = arith.constant 0 : i32
    %dma_wait3A_102 = tpu.memref_slice %arg5[%dma_wait3A_93, %dma_wait3A_94, %dma_wait3A_101] : memref<2x4x200xi32, #tpu.memory_space<vmem>> -> memref<1x1x128xi32, #tpu.memory_space<vmem>>
    %dma_wait3A_103 = tpu.memref_squeeze %dma_wait3A_102 : memref<1x1x128xi32, #tpu.memory_space<vmem>> -> memref<128xi32, #tpu.memory_space<vmem>>
    %dma_wait3A_104 = arith.constant 0 : i32
    %dma_wait3A_105 = arith.constant 0 : i32
    %dma_wait3A_106 = tpu.memref_slice %arg3[%dma_wait3A_104, %dma_wait3A_105] : memref<100000x64xf32, #tpu.memory_space<hbm>> -> memref<100000x64xf32, #tpu.memory_space<hbm>>
    tpu.wait_indirect_dma semaphore(%arg8 : memref<!tpu.dma_semaphore, #tpu.memory_space<semaphore_mem>>) src(%dma_wait3A_106 : memref<100000x64xf32, #tpu.memory_space<hbm>>) dst(%dma_wait3A_100 : memref<128x64xf32, #tpu.memory_space<vmem>>)
    %dma_wait3A_107 = arith.constant 1 : i32
    %dma_wait3A_108 = arith.constant 3 : i32
    %dma_wait3A_109 = arith.constant 1 : i32
    %dma_wait3A_110 = arith.constant 3 : i32
    %dma_wait3A_111 = arith.constant 128 : i32
    %dma_wait3A_112 = arith.constant 0 : i32
    %dma_wait3A_113 = tpu.memref_slice %arg6[%dma_wait3A_109, %dma_wait3A_110, %dma_wait3A_111, %dma_wait3A_112] : memref<2x4x200x64xf32, #tpu.memory_space<vmem>> -> memref<1x1x72x64xf32, #tpu.memory_space<vmem>>
    %dma_wait3A_114 = tpu.memref_squeeze %dma_wait3A_113 : memref<1x1x72x64xf32, #tpu.memory_space<vmem>> -> memref<72x64xf32, #tpu.memory_space<vmem>>
    %dma_wait3A_115 = arith.constant 128 : i32
    %dma_wait3A_116 = tpu.memref_slice %arg5[%dma_wait3A_107, %dma_wait3A_108, %dma_wait3A_115] : memref<2x4x200xi32, #tpu.memory_space<vmem>> -> memref<1x1x72xi32, #tpu.memory_space<vmem>>
    %dma_wait3A_117 = tpu.memref_squeeze %dma_wait3A_116 : memref<1x1x72xi32, #tpu.memory_space<vmem>> -> memref<72xi32, #tpu.memory_space<vmem>>
    %dma_wait3A_118 = arith.constant 0 : i32
    %dma_wait3A_119 = arith.constant 0 : i32
    %dma_wait3A_120 = tpu.memref_slice %arg3[%dma_wait3A_118, %dma_wait3A_119] : memref<100000x64xf32, #tpu.memory_space<hbm>> -> memref<100000x64xf32, #tpu.memory_space<hbm>>
    tpu.wait_indirect_dma semaphore(%arg8 : memref<!tpu.dma_semaphore, #tpu.memory_space<semaphore_mem>>) src(%dma_wait3A_120 : memref<100000x64xf32, #tpu.memory_space<hbm>>) dst(%dma_wait3A_114 : memref<72x64xf32, #tpu.memory_space<vmem>>)
    %add3A_121 = arith.constant 508 : i32
    %add3A_122 = arith.addi %mul3A_2, %add3A_121 : i32
    %dma_start3A = arith.constant 1 : i32
    %dma_start3A_123 = arith.constant 0 : i32
    %dma_start3A_124 = arith.constant 0 : i32
    %dma_start3A_125 = arith.constant 0 : i32
    %dma_start3A_126 = tpu.memref_slice %arg6[%dma_start3A, %dma_start3A_123, %dma_start3A_124, %dma_start3A_125] : memref<2x4x200x64xf32, #tpu.memory_space<vmem>> -> memref<1x4x200x64xf32, #tpu.memory_space<vmem>>
    %dma_start3A_127 = tpu.memref_squeeze %dma_start3A_126 : memref<1x4x200x64xf32, #tpu.memory_space<vmem>> -> memref<4x200x64xf32, #tpu.memory_space<vmem>>
    %dma_start3A_128 = arith.constant 0 : i32
    %dma_start3A_129 = arith.constant 0 : i32
    %dma_start3A_130 = tpu.memref_slice %arg4[%add3A_122, %dma_start3A_128, %dma_start3A_129] : memref<16384x200x128xf32, #tpu.memory_space<hbm>> -> memref<4x200x64xf32, #tpu.memory_space<hbm>>
    %dma_start3A_131 = arith.constant 0 : i32
    %dma_start3A_132 = arith.constant 0 : i32
    %dma_start3A_133 = tpu.memref_slice %arg4[%add3A_122, %dma_start3A_131, %dma_start3A_132] : memref<16384x200x128xf32, #tpu.memory_space<hbm>> -> memref<4x200x64xf32, #tpu.memory_space<hbm>>
    %dma_start3A_134 = arith.constant 0 : i32
    %dma_start3A_135 = arith.constant 0 : i32
    %dma_start3A_136 = arith.constant 0 : i32
    %dma_start3A_137 = tpu.memref_slice %arg6[%dma_start3A, %dma_start3A_134, %dma_start3A_135, %dma_start3A_136] : memref<2x4x200x64xf32, #tpu.memory_space<vmem>> -> memref<1x4x200x64xf32, #tpu.memory_space<vmem>>
    %dma_start3A_138 = tpu.memref_squeeze %dma_start3A_137 : memref<1x4x200x64xf32, #tpu.memory_space<vmem>> -> memref<4x200x64xf32, #tpu.memory_space<vmem>>
    tpu.enqueue_dma source(%dma_start3A_138 : memref<4x200x64xf32, #tpu.memory_space<vmem>>) target(%dma_start3A_133 : memref<4x200x64xf32, #tpu.memory_space<hbm>>) target_semaphore(%arg10 : memref<!tpu.dma_semaphore, #tpu.memory_space<semaphore_mem>>)
    %dma_wait3A_139 = arith.constant 0 : i32
    %dma_wait3A_140 = arith.constant 0 : i32
    %dma_wait3A_141 = arith.constant 0 : i32
    %dma_wait3A_142 = arith.constant 0 : i32
    %dma_wait3A_143 = tpu.memref_slice %arg6[%dma_wait3A_139, %dma_wait3A_140, %dma_wait3A_141, %dma_wait3A_142] : memref<2x4x200x64xf32, #tpu.memory_space<vmem>> -> memref<1x4x200x64xf32, #tpu.memory_space<vmem>>
    %dma_wait3A_144 = tpu.memref_squeeze %dma_wait3A_143 : memref<1x4x200x64xf32, #tpu.memory_space<vmem>> -> memref<4x200x64xf32, #tpu.memory_space<vmem>>
    %dma_wait3A_145 = arith.constant 0 : i32
    %dma_wait3A_146 = arith.constant 0 : i32
    %dma_wait3A_147 = tpu.memref_slice %arg4[%mul3A_2, %dma_wait3A_145, %dma_wait3A_146] : memref<16384x200x128xf32, #tpu.memory_space<hbm>> -> memref<4x200x64xf32, #tpu.memory_space<hbm>>
    %dma_wait3A_148 = arith.constant 0 : i32
    %dma_wait3A_149 = arith.constant 0 : i32
    %dma_wait3A_150 = tpu.memref_slice %arg4[%mul3A_2, %dma_wait3A_148, %dma_wait3A_149] : memref<16384x200x128xf32, #tpu.memory_space<hbm>> -> memref<4x200x64xf32, #tpu.memory_space<hbm>>
    %dma_wait3A_151 = arith.constant 0 : i32
    %dma_wait3A_152 = arith.constant 0 : i32
    %dma_wait3A_153 = arith.constant 0 : i32
    %dma_wait3A_154 = tpu.memref_slice %arg6[%dma_wait3A_139, %dma_wait3A_151, %dma_wait3A_152, %dma_wait3A_153] : memref<2x4x200x64xf32, #tpu.memory_space<vmem>> -> memref<1x4x200x64xf32, #tpu.memory_space<vmem>>
    %dma_wait3A_155 = tpu.memref_squeeze %dma_wait3A_154 : memref<1x4x200x64xf32, #tpu.memory_space<vmem>> -> memref<4x200x64xf32, #tpu.memory_space<vmem>>
    tpu.wait_dma2 semaphore(%arg9 : memref<!tpu.dma_semaphore, #tpu.memory_space<semaphore_mem>>) src(%dma_wait3A_155 : memref<4x200x64xf32, #tpu.memory_space<vmem>>) dst(%dma_wait3A_150 : memref<4x200x64xf32, #tpu.memory_space<hbm>>)
    %dma_wait3A_156 = arith.constant 1 : i32
    %dma_wait3A_157 = arith.constant 0 : i32
    %dma_wait3A_158 = arith.constant 0 : i32
    %dma_wait3A_159 = arith.constant 0 : i32
    %dma_wait3A_160 = tpu.memref_slice %arg6[%dma_wait3A_156, %dma_wait3A_157, %dma_wait3A_158, %dma_wait3A_159] : memref<2x4x200x64xf32, #tpu.memory_space<vmem>> -> memref<1x4x200x64xf32, #tpu.memory_space<vmem>>
    %dma_wait3A_161 = tpu.memref_squeeze %dma_wait3A_160 : memref<1x4x200x64xf32, #tpu.memory_space<vmem>> -> memref<4x200x64xf32, #tpu.memory_space<vmem>>
    %dma_wait3A_162 = arith.constant 0 : i32
    %dma_wait3A_163 = arith.constant 0 : i32
    %dma_wait3A_164 = tpu.memref_slice %arg4[%mul3A_2, %dma_wait3A_162, %dma_wait3A_163] : memref<16384x200x128xf32, #tpu.memory_space<hbm>> -> memref<4x200x64xf32, #tpu.memory_space<hbm>>
    %dma_wait3A_165 = arith.constant 0 : i32
    %dma_wait3A_166 = arith.constant 0 : i32
    %dma_wait3A_167 = tpu.memref_slice %arg4[%mul3A_2, %dma_wait3A_165, %dma_wait3A_166] : memref<16384x200x128xf32, #tpu.memory_space<hbm>> -> memref<4x200x64xf32, #tpu.memory_space<hbm>>
    %dma_wait3A_168 = arith.constant 0 : i32
    %dma_wait3A_169 = arith.constant 0 : i32
    %dma_wait3A_170 = arith.constant 0 : i32
    %dma_wait3A_171 = tpu.memref_slice %arg6[%dma_wait3A_156, %dma_wait3A_168, %dma_wait3A_169, %dma_wait3A_170] : memref<2x4x200x64xf32, #tpu.memory_space<vmem>> -> memref<1x4x200x64xf32, #tpu.memory_space<vmem>>
    %dma_wait3A_172 = tpu.memref_squeeze %dma_wait3A_171 : memref<1x4x200x64xf32, #tpu.memory_space<vmem>> -> memref<4x200x64xf32, #tpu.memory_space<vmem>>
    tpu.wait_dma2 semaphore(%arg10 : memref<!tpu.dma_semaphore, #tpu.memory_space<semaphore_mem>>) src(%dma_wait3A_172 : memref<4x200x64xf32, #tpu.memory_space<vmem>>) dst(%dma_wait3A_167 : memref<4x200x64xf32, #tpu.memory_space<hbm>>)
    return
  }
}

</mosaic_0001>

<sc_bundles>
// kernel: kernel.3.cloned.1.call-start
scs
__scs_entry_jumppad:
0x0: {  	(pc) =	sbr.rel $0x88, $3  }
0x1: {  	(tag) =	ssettag $0x0;
	lr =	simm.s32 $0x1  }
0x2: {  	[smem:$0x3F9F] =	sst lr;
	_ =	strace $0xD0000000  }
0x3: {  	_ = 	snop  }
0x4: {  	_ = 	snop  }
0x5: {  	_ = 	snop  }
0x6: {  	_ = 	snop  }
0x7: {  	_ = 	snop  }
__scs_overlays_trampoline_lowered:
0x8: {  	[smem:$0x3FAE] =	sst s0  }
0x9: {  	[smem:$0x3FAF] =	sst s1  }
0xa: {  	[smem:$0x3FB0] =	sst s2  }
0xb: {  	[smem:$0x3FB1] =	sst s3  }
0xc: {  	[smem:$0x3FB2] =	sst s4  }
0xd: {  	[smem:$0x3FB3] =	sst s5  }
0xe: {  	[smem:$0x3FB4] =	sst s6  }
0xf: {  	[smem:$0x3FB5] =	sst s7  }
0x10: {  	[smem:$0x3FB6] =	sst s8  }
0x11: {  	[smem:$0x3FB7] =	sst s9;
	s0 =	simm.s32 @!p0 $0x0  }
0x12: {  	s1 =	sld [smem:$0x3F9D];
	s0 =	simm.s32 @p0 $0x1  }
0x13: {  	[smem:$0x3FB8] =	sst s0;
	s0 =	simm.s32 @!p1 $0x0  }
0x14: {  	s2 =	sld [smem:$0x3F9C];
	s0 =	simm.s32 @p1 $0x1  }
0x15: {  	[smem:$0x3FB9] =	sst s0;
	s0 =	simm.s32 @!p2 $0x0  }
0x16: {  	s3 =	sld [smem:$0x3FDB];
	s0 =	simm.s32 @p2 $0x1  }
0x17: {  	s4 =	simm.s32 $0x1BF5;
	[smem:$0x3FBB] =	sst s0  }
0x18: {  	s0 =	sld [smem:$0x3F9E];
	_ =	swait.ge [sflag:s4], $0x0  }
0x19: {  	s7 =	sld [smem:$0x3F9F]  }
0x1a: {  	s8 =	sadd.s32 $0xFFFFE003, lr  }
0x1b: {  	s9 =	sadd.s32 $0xFFFFFEF7, lr;
	s5 =	simm.s32 $0xFFFFFFFF;
	p2 =	slt.u32 s8, $0xFFFFF086  }
0x1c: {  	p1 =	slt.u32 s9, $0xF7A;
	s5 =	simm.s32 @!p2 $0x0  }
0x1d: {  	s5 =	simm.s32 @p1 $0x1;
	p0 =	seq.s32 s7, s2  }
0x1e: {  	s7 =	smul.u32 @!p0 $0xF7A, s2;
	p2 =	seq.s32 @!p0 s5, $0x0  }
0x1f: {  	s9 =	smul.u32 $0xF7A, s1;
	s8 =	simm.s32 @!p0 $0x1BF5;
	p2 =	por !p2, p0  }
0x20: {  	[sflag:s8] =	ssyncset.s32 @!p0 $0xFFFFF086;
	s6 =	sadd.s32 @!p0 s3, s7;
	s7 =	simm.s32 @!p0 $0x108  }
0x21: {  	s3 =	sadd.s32 s3, s9;
	s6 =	sadd.s32 @!p0 $0x88, s6;
	s7 =	simm.s32 @p2 $0x1082  }
0x22: {  	[simem:s7], [sflag:s8] =	dma.local @!p0 [hbm:s6], $0xF7A  }
0x23: {  	s9 =	sor.u32 $0xD0000000, s2;
	s6 =	simm.s32 $0x108;
	_ =	swait.ge @!p0 [sflag:s8], $0x0  }
0x24: {  	s3 =	sadd.s32 $0x88, s3;
	s6 =	simm.s32 @!p1 $0x1082;
	[sflag:s4] =	ssyncset.s32 $0xFFFFF086  }
0x25: {  	[simem:s6], [sflag:s4] =	dma.local [hbm:s3], $0xF7A  }
0x26: {  	[smem:$0x3F9F] =	sst s1;
	(tag) =	ssettag s2;
	_ =	strace s9  }
0x27: {  	s1 =	sld [smem:$0x3FAF]  }
0x28: {  	s2 =	sld [smem:$0x3FB0]  }
0x29: {  	s4 =	sld [smem:$0x3FB2]  }
0x2a: {  	p0 =	seq.s32 s5, $0x0;
	s5 =	sld [smem:$0x3FB3]  }
0x2b: {  	s6 =	sld [smem:$0x3FB4]  }
0x2c: {  	s7 =	sld [smem:$0x3FB5]  }
0x2d: {  	s3 =	simm.s32 $0x108;
	s8 =	sld [smem:$0x3FB6]  }
0x2e: {  	s3 =	simm.s32 @!p0 $0x1082;
	s9 =	sld [smem:$0x3FB7]  }
0x2f: {  	lr =	sadd.s32 s0, s3;
	s0 =	sld [smem:$0x3FAE]  }
0x30: {  	s3 =	sld [smem:$0x3FB1]  }
0x31: {  	[smem:$0x3FBA] =	sst s10  }
0x32: {  	s10 =	sld [smem:$0x3FB8];
	_ =	sdelay $0x3  }
0x33: {  	p0 =	seq.s32 s10, $0x1;
	s10 =	sld [smem:$0x3FBA];
	_ =	sdelay $0x3  }
0x34: {  	[smem:$0x3FBA] =	sst s10  }
0x35: {  	s10 =	sld [smem:$0x3FB9];
	_ =	sdelay $0x3  }
0x36: {  	p1 =	seq.s32 s10, $0x1;
	s10 =	sld [smem:$0x3FBA];
	_ =	sdelay $0x3  }
0x37: {  	[smem:$0x3FBA] =	sst s10  }
0x38: {  	s10 =	sld [smem:$0x3FBB]  }
0x39: {  	_ = 	snop;
	(pc) =	sbr.ind lr, $3  }
0x3a: {  	_ = 	snop  }
0x3b: {  	_ = 	snop  }
0x3c: {  	p2 =	seq.s32 s10, $0x1;
	s10 =	sld [smem:$0x3FBA]  }
0x3d: {  	_ =	shalt  }
0x3e: {  	_ =	shalt  }
0x3f: {  	_ =	shalt  }
0x40: {  	_ =	shalt  }
0x41: {  	_ =	shalt  }
0x42: {  	_ =	shalt  }
0x43: {  	_ =	shalt  }
0x44: {  	_ =	shalt  }
0x45: {  	_ =	shalt  }
0x46: {  	_ =	shalt  }
0x47: {  	_ =	shalt  }
0x48: {  	_ =	shalt  }
0x49: {  	_ =	shalt  }
0x4a: {  	_ =	shalt  }
0x4b: {  	_ =	shalt  }
0x4c: {  	_ =	shalt  }
0x4d: {  	_ =	shalt  }
0x4e: {  	_ =	shalt  }
0x4f: {  	_ =	shalt  }
0x50: {  	_ =	shalt  }
0x51: {  	_ =	shalt  }
0x52: {  	_ =	shalt  }
0x53: {  	_ =	shalt  }
0x54: {  	_ =	shalt  }
0x55: {  	_ =	shalt  }
0x56: {  	_ =	shalt  }
0x57: {  	_ =	shalt  }
0x58: {  	_ =	shalt  }
0x59: {  	_ =	shalt  }
0x5a: {  	_ =	shalt  }
0x5b: {  	_ =	shalt  }
0x5c: {  	_ =	shalt  }
0x5d: {  	_ =	shalt  }
0x5e: {  	_ =	shalt  }
0x5f: {  	_ =	shalt  }
0x60: {  	_ =	shalt  }
0x61: {  	_ =	shalt  }
0x62: {  	_ =	shalt  }
0x63: {  	_ =	shalt  }
0x64: {  	_ =	shalt  }
0x65: {  	_ =	shalt  }
0x66: {  	_ =	shalt  }
0x67: {  	_ =	shalt  }
0x68: {  	_ =	shalt  }
0x69: {  	_ =	shalt  }
0x6a: {  	_ =	shalt  }
0x6b: {  	_ =	shalt  }
0x6c: {  	_ =	shalt  }
0x6d: {  	_ =	shalt  }
0x6e: {  	_ =	shalt  }
0x6f: {  	_ =	shalt  }
0x70: {  	_ =	shalt  }
0x71: {  	_ =	shalt  }
0x72: {  	_ =	shalt  }
0x73: {  	_ =	shalt  }
0x74: {  	_ =	shalt  }
0x75: {  	_ =	shalt  }
0x76: {  	_ =	shalt  }
0x77: {  	_ =	shalt  }
0x78: {  	_ =	shalt  }
0x79: {  	_ =	shalt  }
0x7a: {  	_ =	shalt  }
0x7b: {  	_ =	shalt  }
0x7c: {  	_ =	shalt  }
0x7d: {  	_ =	shalt  }
0x7e: {  	_ =	shalt  }
0x7f: {  	_ =	shalt  }
0x80: {  	_ =	shalt  }
0x81: {  	_ =	shalt  }
0x82: {  	_ =	shalt  }
0x83: {  	_ =	shalt  }
0x84: {  	_ =	shalt  }
0x85: {  	_ =	shalt  }
0x86: {  	_ =	shalt  }
0x87: {  	_ =	shalt  }
.Lfunc_end0:
.L_simem_size_0:
called_computation.1_lowered:
.L_overlay_start_0:
0x88: {  	s2 =	sld [smem:$0x3FD9]  }
0x89: {  	s3 =	sld [smem:$0x3FFE];
	_ =	sdelay $0x1  }
0x8a: {  	s1 =	srdreg.scid  }
0x8b: {  	s0 =	sand.u32 $0x1, s1  }
0x8c: {  	s16 =	sshll.u32 s0, $0xA;
	s2 =	sadd.s32 s3, s2  }
0x8d: {  	s2 =	sadd.s32 s2, s16  }
0x8e: {  	[smem:$0x3FC6] =	sst s2  }
0x8f: {  	_ = 	snop  }
0x90: {  	(tm) =	ssettm $0x1  }
0x91: {  	s17 =	sld [smem:$0x3FFB];
	_ =	sdelay $0x3  }
0x92: {  	_ =	strace s17  }
0x93: {  	s2 =	sld [smem:$0x3FFC];
	_ =	sdelay $0x3  }
0x94: {  	_ =	strace s2  }
0x95: {  	s2 =	sld [smem:$0x3FFD];
	_ =	sdelay $0x3  }
0x96: {  	_ =	strace s2  }
0x97: {  	_ =	strace $0x8FFFFFFF  }
0x98: {  	s18 =	sld [smem:$0x3FDB];
	_ =	sdelay $0x1  }
0x99: {  	s19 =	simm.s32 $_scs_section_size  }
0x9a: {  	s4 =	simm.s32 $_size__tile_overlayer_lowered;
	s5 =	simm.s32 $_tile_overlayer_lowered  }
0x9b: {  	s22 =	simm.s32 $0x1BFF;
	s21 =	sshll.u32 s5, $0x1;
	s2 =	sadd.s32 s19, s18  }
0x9c: {  	s6 =	simm.s32 $0x0;
	s20 =	sshll.u32 s4, $0x1;
	s4 =	sadd.s32 s21, s2  }
0x9d: {  	[timem:s6], [sflag:s22] =	dma.local [hbm:s4], s20  }
0x9e: {  	_ =	swait.ge [sflag:s22], s20  }
0x9f: {  	s3 =	ssub.s32 $0x0, s20;
	[sflag:s22] =	ssyncset.done $0x0  }
0xa0: {  	[sflag:s22] =	ssyncadd.s32 s3;
	_ =	sdelay $0x1  }
0xa1: {  	s23 =	simm.s32 $0x1B8B  }
0xa2: {  	_ =	swait.ge [sflag:s23], $0x1  }
0xa3: {  	[sflag:s23] =	ssyncset.done $0x0  }
0xa4: {  	s25 =	simm.s32 $0x1B8E;
	s24 =	sld [smem:$0x3FFE];
	[sflag:s23] =	ssyncadd.s32 $0xFFFFFFFF  }
0xa5: {  	s26 =	simm.s32 $execute0_lowered;
	[smem:$0x3FD2] =	sst s25  }
0xa6: {  	s4 =	sshll.u32 s26, $0x1;
	_ =	strace $0x80000046;
	[dreg:$0x1] =	wrdreg $0xFFFFFFFF  }
0xa7: {  	s28 =	simm.s32 $_size_execute0_lowered;
	s2 =	sadd.s32 s2, s4;
	[dreg:$0x0] =	wrdreg $0x0  }
0xa8: {  	s4 =	sshll.u32 s28, $0x1;
	[dreg:$0x2] =	wrdreg s2  }
0xa9: {  	[dreg:$0x3] =	wrdreg s4  }
0xaa: {  	[dreg:$0x4] =	wrdreg $0xC0  }
0xab: {  	_ =	task [dreg:s6], $0x5FFFF  }
0xac: {  	[dreg:$0x1] =	wrdreg $0xFFFFFFFF  }
0xad: {  	[dreg:$0x0] =	wrdreg $0x60  }
0xae: {  	[dreg:$0x2] =	wrdreg s24  }
0xaf: {  	[dreg:$0x3] =	wrdreg $0x9  }
0xb0: {  	_ =	task.clear_ibuf [dreg:s6], $0x4FFFF;
	_ =	strace $0x90000046  }
0xb1: {  	s29 =	simm.s32 $0x9;
	_ =	strace $0x80000048  }
0xb2: {  	_ =	swait.ge [sflag:s29], $0x1  }
0xb3: {  	[sflag:s29] =	ssyncadd.s32 $0xFFFFFFFF  }
0xb4: {  	_ =	strace $0x90000048  }
0xb5: {  	_ =	sfence  }
0xb6: {  	s30 =	sld [smem:$0x0];
	_ =	sdelay $0x2  }
0xb7: {  	s31 =	sshll.u32 s1, $0xD;
	s1 =	sshrl.u32 s1, $0x2  }
0xb8: {  	s3 =	sand.u32 $0x4000, s31;
	s1 =	sadd.s32 s1, s30  }
0xb9: {  	s0 =	sor.u32 s3, s0;
	s1 =	sshll.u32 s1, $0x11  }
0xba: {  	s0 =	sor.u32 s1, s0  }
0xbb: {  	s0 =	sadd.s32 $0x8F2B, s0  }
0xbc: {  	[sflag:s0] =	ssyncadd.remote.s32 $0x1  }
0xbd: {  	_ =	sfence.sel $0xFFFF  }
0xbe: {  	[dreg:$0x0] =	wrdreg $0xFFFFFFFF;
	(pc) =	sbr.abs _section_cstart, $3  }
0xbf: {  	[dreg:$0x1] =	wrdreg $0xFFFFFFFF  }
0xc0: {  	_ =	task.clear_ibuf [dreg:s6], $0x2FFFF;
	_ =	strace $0x9FFFFFFF  }
0xc1: {  	(tm) =	ssettm $0x7FFFFFFF  }
tec
execute0_lowered:
.L_overlay_start_1:
0x0: {  	(tag) =	ssettag $0x1  }
0x1: {  	s0 =	srdreg.scid;
	s11 =	stileid.u32  }
0x2: {  	s1 =	rddreg [dreg:$0x0];
	s2 =	simm.s32 $0x0;
	s12 =	simm.s32 $0x80  }
0x3: {  	s13 =	simm.s32 $0xCE40;
	s14 =	simm.s32 $0x48;
	s15 =	simm.s32 $0x3A0  }
0x4: {  	s16 =	simm.s32 $0xEE40;
	s17 =	simm.s32 $0x3E8;
	s18 =	simm.s32 $0x10040  }
0x5: {  	s19 =	simm.s32 $0x468;
	s20 =	simm.s32 $0x12040;
	s21 =	simm.s32 $0x4B0  }
0x6: {  	s22 =	simm.s32 $0x13240;
	s28 =	simm.s32 $0x5F8;
	s29 =	simm.s32 $0x18440  }
0x7: {  	s30 =	simm.s32 $0x1;
	s31 =	simm.s32 $0x40;
	s0 =	sand.u32 $0x1, s0  }
0x8: {  	s3 =	sshll.u32 s11, $0xA;
	[smem:$0x7FF] =	sst s2;
	s8 =	smul.u32 $0x6400, s11  }
0x9: {  	s5 =	sadd.s32 $0x800, s1;
	s23 =	smul.u32 $0x320000, s11;
	s11 =	simm.s32 $0x5  }
0xa: {  	s4 =	sshll.u32 s0, $0x9;
	_ =	strace $0x80000047;
	s10 =	smul.u32 $0x3200, s0  }
0xb: {  	s7 =	ssub.s32 $0x2, s0;
	s0 =	smul.u32 $0x190000, s0;
	s3 =	sor.u32 s4, s3  }
0xc: {  	s9 =	sshrl.u32 s7, $0x1;
	s25 =	sadd.s32 s8, s5;
	s4 =	smul.u32 $0x19, s3  }
0xd: {  	s6 =	smul.u32 $0x6400, s3;
	s3 =	sadd.s32 $0x64800, s1;
	s7 =	ssub.s32 s7, s9  }
0xe: {  	s1 =	sadd.s32 $0x127E00, s1;
	s26 =	smax.u32 s7, $0x1;
	s7 =	sadd.s32 s10, s25  }
0xf: {  	s10 =	simm.s32 $0x320;
	s25 =	simm.s32 $0x578;
	s6 =	sshrl.u32 s6, $0x3  }
.Ltmp0:
0x10: {  	s4 =	sadd.s32 s5, s4;
	[dreg:$0x4] =	wrdreg s26;
	(pc) =	sbr.rel .LBB2_1-.Ltmp0, $4  }
0x11: {  	s26 =	simm.s32 $0x16440;
	s5 =	simm.s32 $0x0;
	s24 =	sadd.s32 s1, s6  }
0x12: {  	[dreg:$0x2] =	wrdreg s4;
	s1 =	sadd.s32 s23, s1;
	s4 =	sadd.s32 $0x18CE00, s24  }
0x13: {  	s23 =	simm.s32 $0x530;
	s0 =	sadd.s32 s0, s1;
	[dreg:$0x3] =	wrdreg s4  }
0x14: {  	s24 =	simm.s32 $0x15240;
	s1 =	simm.s32 $0x640;
	[dreg:$0x5] =	wrdreg s0  }
.LBB2_4:
0x15: {  	s0 =	simm.s32 $0x2  }
0x16: {  	_ =	swait.ge [sflag:s0], $0x2000  }
0x17: {  	[sflag:s0] =	ssyncset.done $0x0  }
0x18: {  	[sflag:s0] =	ssyncadd.s32 $0xFFFFE000  }
0x19: {  	_ =	swait.ge [sflag:s0], $0x1200  }
0x1a: {  	[sflag:s0] =	ssyncset.done $0x0  }
0x1b: {  	[sflag:s0] =	ssyncadd.s32 $0xFFFFEE00  }
0x1c: {  	_ =	swait.ge [sflag:s0], $0x2000  }
0x1d: {  	[sflag:s0] =	ssyncset.done $0x0  }
0x1e: {  	[sflag:s0] =	ssyncadd.s32 $0xFFFFE000  }
0x1f: {  	_ =	swait.ge [sflag:s0], $0x1200  }
0x20: {  	[sflag:s0] =	ssyncset.done $0x0  }
0x21: {  	[sflag:s0] =	ssyncadd.s32 $0xFFFFEE00  }
0x22: {  	_ =	swait.ge [sflag:s0], $0x2000  }
0x23: {  	[sflag:s0] =	ssyncset.done $0x0  }
0x24: {  	[sflag:s0] =	ssyncadd.s32 $0xFFFFE000  }
0x25: {  	_ =	swait.ge [sflag:s0], $0x1200  }
0x26: {  	[sflag:s0] =	ssyncset.done $0x0  }
0x27: {  	[sflag:s0] =	ssyncadd.s32 $0xFFFFEE00  }
0x28: {  	_ =	swait.ge [sflag:s0], $0x2000  }
0x29: {  	[sflag:s0] =	ssyncset.done $0x0  }
0x2a: {  	[sflag:s0] =	ssyncadd.s32 $0xFFFFE000  }
0x2b: {  	_ =	swait.ge [sflag:s0], $0x1200  }
0x2c: {  	[sflag:s0] =	ssyncset.done $0x0  }
0x2d: {  	s8 =	simm.s32 $0x3;
	s6 =	rddreg [dreg:$0x3];
	[sflag:s0] =	ssyncadd.s32 $0xFFFFEE00  }
0x2e: {  	[hbm4b:s6+s31] =	stream.strided.scatter [tilespmem:s13], [sflag:$0x4], $0xC800, s12, s31, $0x38;
	[tilespmem:$0x19640] =	vst v63  }
0x2f: {  	_ =	swait.ge [sflag:s8], $0xC800  }
0x30: {  	[sflag:s8] =	ssyncset.done $0x0  }
0x31: {  	s4 =	simm.s32 $0x4;
	[sflag:s8] =	ssyncadd.s32 $0xFFFF3800  }
0x32: {  	_ =	swait.ge [sflag:s4], $0xC800  }
0x33: {  	s5 =	rddreg [dreg:$0x6]  }
0x34: {  	s9 =	rddreg [dreg:$0x4];
	s5 =	sadd.s32 $0x1, s5  }
0x35: {  	p0 =	sne.s32 s5, s9  }
.Ltmp1:
0x36: {  	_ = 	snop;
	(pc) =	sbr.rel @!p0 .LBB2_5-.Ltmp1, $3  }
0x37: {  	_ =	sdelay $0x1  }
0x38: {  	[sflag:s4] =	ssyncset.done $0x0  }
0x39: {  	[sflag:s4] =	ssyncadd.s32 $0xFFFF3800  }
.LBB2_1:
0x3a: {  	[dreg:$0x6] =	wrdreg s5  }
0x3b: {  	s0 =	rddreg [dreg:$0x2];
	s9 =	simm.s32 $0x6  }
0x3c: {  	[tilespmem:s2], [sflag:$0x6] =	stream.linear.gather [hbm4b:s0+s2], $0x320, $0x38;
	[tilespmem:$0x19640] =	vst v63  }
0x3d: {  	_ =	swait.ge [sflag:s9], $0x320  }
0x3e: {  	[sflag:s9] =	ssyncset.done $0x0  }
0x3f: {  	s8 =	rddreg [dreg:$0x5];
	[sflag:s9] =	ssyncadd.s32 $0xFFFFFCE0;
	s9 =	simm.s32 $0x0  }
.LBB2_2:
0x40: {  	p0 =	seq.s32 s9, $0x0  }
0x41: {  	s4 =	simm.s32 @p0 $0x80;
	s5 =	simm.s32 @p0 $0x0;
	s6 =	simm.s32 @p0 $0x640  }
0x42: {  	[tilespmem:s6], [sflag:$0x1] =	stream.indirect.gather @p0 [hbm4b:s3+s4], $0x40, s5, s4, $0xb8;
	[tilespmem:$0x19640] =	vst v63  }
0x43: {  	s5 =	simm.s32 @p0 $0x48;
	s6 =	simm.s32 @p0 $0x2640  }
0x44: {  	[tilespmem:s6], [sflag:$0x1] =	stream.indirect.gather @p0 [hbm4b:s3+s5], $0x40, s4, s5, $0xb8;
	[tilespmem:$0x19640] =	vst v63  }
0x45: {  	s0 =	simm.s32 @p0 $0x3840;
	s6 =	simm.s32 @p0 $0xC8  }
0x46: {  	[tilespmem:s0], [sflag:$0x1] =	stream.indirect.gather @p0 [hbm4b:s3+s4], $0x40, s6, s4, $0xb8;
	[tilespmem:$0x19640] =	vst v63  }
0x47: {  	s0 =	simm.s32 @p0 $0x148;
	s6 =	simm.s32 @p0 $0x5840  }
0x48: {  	[tilespmem:s6], [sflag:$0x1] =	stream.indirect.gather @p0 [hbm4b:s3+s5], $0x40, s0, s5, $0xb8;
	[tilespmem:$0x19640] =	vst v63  }
0x49: {  	s0 =	simm.s32 @p0 $0x190;
	s6 =	simm.s32 @p0 $0x6A40  }
0x4a: {  	[tilespmem:s6], [sflag:$0x1] =	stream.indirect.gather @p0 [hbm4b:s3+s4], $0x40, s0, s4, $0xb8;
	[tilespmem:$0x19640] =	vst v63  }
0x4b: {  	s0 =	simm.s32 @p0 $0x210;
	s6 =	simm.s32 @p0 $0x8A40  }
0x4c: {  	[tilespmem:s6], [sflag:$0x1] =	stream.indirect.gather @p0 [hbm4b:s3+s5], $0x40, s0, s5, $0xb8;
	[tilespmem:$0x19640] =	vst v63  }
0x4d: {  	s0 =	simm.s32 @p0 $0x258;
	s6 =	simm.s32 @p0 $0x9C40  }
0x4e: {  	[tilespmem:s6], [sflag:$0x1] =	stream.indirect.gather @p0 [hbm4b:s3+s4], $0x40, s0, s4, $0xb8;
	[tilespmem:$0x19640] =	vst v63  }
0x4f: {  	s0 =	simm.s32 @p0 $0x2D8;
	s4 =	simm.s32 @p0 $0xBC40  }
0x50: {  	[tilespmem:s4], [sflag:$0x1] =	stream.indirect.gather @p0 [hbm4b:s3+s5], $0x40, s0, s5, $0xb8;
	[tilespmem:$0x19640] =	vst v63  }
0x51: {  	s0 =	simm.s32 @!p0 $0x3  }
0x52: {  	_ =	swait.ge @!p0 [sflag:s0], $0xC800  }
0x53: {  	[sflag:s0] =	ssyncset.done @!p0 $0x0  }
0x54: {  	[sflag:s0] =	ssyncadd.s32 @!p0 $0xFFFF3800;
	s0 =	simm.s32 @!p0 $0x5  }
0x55: {  	_ =	swait.ge @!p0 [sflag:s0], $0x320  }
0x56: {  	s4 =	simm.s32 @!p0 $0x0;
	[sflag:s0] =	ssyncset.done @!p0 $0x0  }
0x57: {  	s5 =	simm.s32 @!p0 $0x640;
	[sflag:s0] =	ssyncadd.s32 @!p0 $0xFFFFFCE0;
	s0 =	simm.s32 @!p0 $0x80  }
0x58: {  	[tilespmem:s5], [sflag:$0x1] =	stream.indirect.gather @!p0 [hbm4b:s3+s0], $0x40, s4, s0, $0xb8;
	[tilespmem:$0x19640] =	vst v63  }
0x59: {  	s4 =	simm.s32 @!p0 $0x48;
	s5 =	simm.s32 @!p0 $0x2640  }
0x5a: {  	[tilespmem:s5], [sflag:$0x1] =	stream.indirect.gather @!p0 [hbm4b:s3+s4], $0x40, s0, s4, $0xb8;
	[tilespmem:$0x19640] =	vst v63  }
0x5b: {  	s6 =	simm.s32 @!p0 $0x3840;
	s5 =	simm.s32 @!p0 $0xC8  }
0x5c: {  	[tilespmem:s6], [sflag:$0x1] =	stream.indirect.gather @!p0 [hbm4b:s3+s0], $0x40, s5, s0, $0xb8;
	[tilespmem:$0x19640] =	vst v63  }
0x5d: {  	s5 =	simm.s32 @!p0 $0x148;
	s6 =	simm.s32 @!p0 $0x5840  }
0x5e: {  	[tilespmem:s6], [sflag:$0x1] =	stream.indirect.gather @!p0 [hbm4b:s3+s4], $0x40, s5, s4, $0xb8;
	[tilespmem:$0x19640] =	vst v63  }
0x5f: {  	s5 =	simm.s32 @!p0 $0x190;
	s6 =	simm.s32 @!p0 $0x6A40  }
0x60: {  	[tilespmem:s6], [sflag:$0x1] =	stream.indirect.gather @!p0 [hbm4b:s3+s0], $0x40, s5, s0, $0xb8;
	[tilespmem:$0x19640] =	vst v63  }
0x61: {  	s5 =	simm.s32 @!p0 $0x210;
	s6 =	simm.s32 @!p0 $0x8A40  }
0x62: {  	[tilespmem:s6], [sflag:$0x1] =	stream.indirect.gather @!p0 [hbm4b:s3+s4], $0x40, s5, s4, $0xb8;
	[tilespmem:$0x19640] =	vst v63  }
0x63: {  	s5 =	simm.s32 @!p0 $0x258;
	s6 =	simm.s32 @!p0 $0x9C40  }
0x64: {  	[tilespmem:s6], [sflag:$0x1] =	stream.indirect.gather @!p0 [hbm4b:s3+s0], $0x40, s5, s0, $0xb8;
	[tilespmem:$0x19640] =	vst v63  }
0x65: {  	s5 =	simm.s32 @!p0 $0x2D8;
	s6 =	simm.s32 @!p0 $0xBC40  }
0x66: {  	[tilespmem:s6], [sflag:$0x1] =	stream.indirect.gather @!p0 [hbm4b:s3+s4], $0x40, s5, s4, $0xb8;
	[tilespmem:$0x19640] =	vst v63  }
0x67: {  	s4 =	simm.s32 @!p0 $0x2  }
0x68: {  	_ =	swait.ge @!p0 [sflag:s4], $0x2000  }
0x69: {  	[sflag:s4] =	ssyncset.done @!p0 $0x0  }
0x6a: {  	[sflag:s4] =	ssyncadd.s32 @!p0 $0xFFFFE000  }
0x6b: {  	_ =	swait.ge @!p0 [sflag:s4], $0x1200  }
0x6c: {  	[sflag:s4] =	ssyncset.done @!p0 $0x0  }
0x6d: {  	[sflag:s4] =	ssyncadd.s32 @!p0 $0xFFFFEE00  }
0x6e: {  	_ =	swait.ge @!p0 [sflag:s4], $0x2000  }
0x6f: {  	[sflag:s4] =	ssyncset.done @!p0 $0x0  }
0x70: {  	[sflag:s4] =	ssyncadd.s32 @!p0 $0xFFFFE000  }
0x71: {  	_ =	swait.ge @!p0 [sflag:s4], $0x1200  }
0x72: {  	[sflag:s4] =	ssyncset.done @!p0 $0x0  }
0x73: {  	[sflag:s4] =	ssyncadd.s32 @!p0 $0xFFFFEE00  }
0x74: {  	_ =	swait.ge @!p0 [sflag:s4], $0x2000  }
0x75: {  	[sflag:s4] =	ssyncset.done @!p0 $0x0  }
0x76: {  	[sflag:s4] =	ssyncadd.s32 @!p0 $0xFFFFE000  }
0x77: {  	_ =	swait.ge @!p0 [sflag:s4], $0x1200  }
0x78: {  	[sflag:s4] =	ssyncset.done @!p0 $0x0  }
0x79: {  	[sflag:s4] =	ssyncadd.s32 @!p0 $0xFFFFEE00  }
0x7a: {  	_ =	swait.ge @!p0 [sflag:s4], $0x2000  }
0x7b: {  	[sflag:s4] =	ssyncset.done @!p0 $0x0  }
0x7c: {  	[sflag:s4] =	ssyncadd.s32 @!p0 $0xFFFFE000  }
0x7d: {  	_ =	swait.ge @!p0 [sflag:s4], $0x1200  }
0x7e: {  	s5 =	simm.s32 @!p0 $0x40;
	[sflag:s4] =	ssyncset.done @!p0 $0x0  }
0x7f: {  	s6 =	simm.s32 @!p0 $0xCE40;
	[sflag:s4] =	ssyncadd.s32 @!p0 $0xFFFFEE00;
	s4 =	sadd.s32 @!p0 $0xFFFFCE00, s8  }
0x80: {  	[hbm4b:s4+s5] =	stream.strided.scatter @!p0 [tilespmem:s6], [sflag:$0x4], $0xC800, s0, s5, $0x38;
	[tilespmem:$0x19640] =	vst v63  }
0x81: {  	s4 =	sadd.s32 s9, s7  }
0x82: {  	s0 =	simm.s32 @!p0 $0x4;
	s6 =	sadd.s32 $0x64, s4  }
0x83: {  	[tilespmem:s10], [sflag:$0x5] =	stream.linear.gather [hbm4b:s6+s2], $0x320, $0x38;
	[tilespmem:$0x19640] =	vst v63  }
0x84: {  	_ =	swait.ge @!p0 [sflag:s0], $0xC800  }
0x85: {  	[sflag:s0] =	ssyncset.done @!p0 $0x0  }
0x86: {  	[sflag:s0] =	ssyncadd.s32 @!p0 $0xFFFF3800  }
0x87: {  	_ =	swait.ge [sflag:s11], $0x320  }
0x88: {  	[sflag:s11] =	ssyncset.done $0x0  }
0x89: {  	[sflag:s11] =	ssyncadd.s32 $0xFFFFFCE0  }
0x8a: {  	[tilespmem:s13], [sflag:$0x2] =	stream.indirect.gather [hbm4b:s3+s12], $0x40, s10, s12, $0xb8;
	[tilespmem:$0x19640] =	vst v63  }
0x8b: {  	_ = 	snop  }
0x8c: {  	[tilespmem:s16], [sflag:$0x2] =	stream.indirect.gather [hbm4b:s3+s14], $0x40, s15, s14, $0xb8;
	[tilespmem:$0x19640] =	vst v63  }
0x8d: {  	_ = 	snop  }
0x8e: {  	[tilespmem:s18], [sflag:$0x2] =	stream.indirect.gather [hbm4b:s3+s12], $0x40, s17, s12, $0xb8;
	[tilespmem:$0x19640] =	vst v63  }
0x8f: {  	_ = 	snop  }
0x90: {  	[tilespmem:s20], [sflag:$0x2] =	stream.indirect.gather [hbm4b:s3+s14], $0x40, s19, s14, $0xb8;
	[tilespmem:$0x19640] =	vst v63  }
0x91: {  	_ = 	snop  }
0x92: {  	[tilespmem:s22], [sflag:$0x2] =	stream.indirect.gather [hbm4b:s3+s12], $0x40, s21, s12, $0xb8;
	[tilespmem:$0x19640] =	vst v63  }
0x93: {  	_ = 	snop  }
0x94: {  	[tilespmem:s24], [sflag:$0x2] =	stream.indirect.gather [hbm4b:s3+s14], $0x40, s23, s14, $0xb8;
	[tilespmem:$0x19640] =	vst v63  }
0x95: {  	_ = 	snop  }
0x96: {  	[tilespmem:s26], [sflag:$0x2] =	stream.indirect.gather [hbm4b:s3+s12], $0x40, s25, s12, $0xb8;
	[tilespmem:$0x19640] =	vst v63  }
0x97: {  	_ = 	snop  }
0x98: {  	[tilespmem:s29], [sflag:$0x2] =	stream.indirect.gather [hbm4b:s3+s14], $0x40, s28, s14, $0xb8;
	[tilespmem:$0x19640] =	vst v63  }
0x99: {  	_ =	swait.ge [sflag:s30], $0x2000  }
0x9a: {  	[sflag:s30] =	ssyncset.done $0x0  }
0x9b: {  	[sflag:s30] =	ssyncadd.s32 $0xFFFFE000  }
0x9c: {  	_ =	swait.ge [sflag:s30], $0x1200  }
0x9d: {  	[sflag:s30] =	ssyncset.done $0x0  }
0x9e: {  	[sflag:s30] =	ssyncadd.s32 $0xFFFFEE00  }
0x9f: {  	_ =	swait.ge [sflag:s30], $0x2000  }
0xa0: {  	[sflag:s30] =	ssyncset.done $0x0  }
0xa1: {  	[sflag:s30] =	ssyncadd.s32 $0xFFFFE000  }
0xa2: {  	_ =	swait.ge [sflag:s30], $0x1200  }
0xa3: {  	[sflag:s30] =	ssyncset.done $0x0  }
0xa4: {  	[sflag:s30] =	ssyncadd.s32 $0xFFFFEE00  }
0xa5: {  	_ =	swait.ge [sflag:s30], $0x2000  }
0xa6: {  	[sflag:s30] =	ssyncset.done $0x0  }
0xa7: {  	[sflag:s30] =	ssyncadd.s32 $0xFFFFE000  }
0xa8: {  	_ =	swait.ge [sflag:s30], $0x1200  }
0xa9: {  	[sflag:s30] =	ssyncset.done $0x0  }
0xaa: {  	[sflag:s30] =	ssyncadd.s32 $0xFFFFEE00  }
0xab: {  	_ =	swait.ge [sflag:s30], $0x2000  }
0xac: {  	p0 =	seq.s32 s9, $0x3138;
	[sflag:s30] =	ssyncset.done $0x0  }
.Ltmp2:
0xad: {  	[sflag:s30] =	ssyncadd.s32 $0xFFFFE000;
	(pc) =	sbr.rel @p0 .LBB2_4-.Ltmp2, $4  }
0xae: {  	_ =	swait.ge [sflag:s30], $0x1200  }
0xaf: {  	[sflag:s30] =	ssyncset.done $0x0  }
0xb0: {  	[sflag:s30] =	ssyncadd.s32 $0xFFFFEE00  }
0xb1: {  	[hbm4b:s8+s31] =	stream.strided.scatter [tilespmem:s1], [sflag:$0x3], $0xC800, s12, s31, $0x38;
	[tilespmem:$0x19640] =	vst v63  }
.Ltmp3:
0xb2: {  	(pc) =	sbr.rel .LBB2_2-.Ltmp3, $3  }
0xb3: {  	_ =	sdelay $0x1  }
0xb4: {  	s0 =	sadd.s32 $0xC8, s4;
	s9 =	sadd.s32 $0xC8, s9;
	s8 =	sadd.s32 $0x6400, s8  }
0xb5: {  	[tilespmem:s2], [sflag:$0x5] =	stream.linear.gather [hbm4b:s0+s2], $0x320, $0x38;
	[tilespmem:$0x19640] =	vst v63  }
.LBB2_5:
0xb6: {  	_ =	sfence.sel $0x180000  }
0xb7: {  	[bflag:$0x0] =	sbarrier.arrive $0xFFFF  }
0xb8: {  	_ =	strace $0x90000047  }
0xb9: {  	s0 =	stileid.u32;
	[bflag:$0x2] =	sbarrier.arrive $0xFFFF  }
0xba: {  	p0 =	sne.s32 s0, $0x0;
	s0 =	rddreg [dreg:$0x1]  }
0xbb: {  	s0 =	sadd.s32 @!p0 $0x100000, s0  }
0xbc: {  	[sflag:s0] =	ssyncadd.tile.s32 @!p0 $0x1;
	_ =	shalt  }
.Lfunc_end2:
_tile_overlayer_lowered:
.L_overlay_start_2:
0xbd: {  	(tag) =	ssettag $0x2  }
0xbe: {  	s0 =	rddreg [dreg:$0x0];
	s2 =	stileid.u32  }
0xbf: {  	s1 =	rddreg [dreg:$0x1];
	p0 =	sne.s32 s2, $0x0  }
0xc0: {  	s3 =	rddreg [dreg:$0x2];
	[bflag:$0x3] =	sbarrier.arrive $0xFFFF;
	s2 =	simm.s32 @!p0 $0x1C06  }
0xc1: {  	[timem:s3], [sflag:s2] =	dma.local @!p0 [hbm:s0], s1  }
0xc2: {  	s0 =	simm.s32 @!p0 $0x6  }
0xc3: {  	_ =	swait.ge @!p0 [sflag:s0], s1  }
0xc4: {  	s1 =	ssub.s32 @!p0 $0x0, s1;
	[sflag:s0] =	ssyncset.done @!p0 $0x0  }
0xc5: {  	[sflag:s0] =	ssyncadd.s32 @!p0 s1  }
0xc6: {  	[bflag:$0x3] =	sbarrier.arrive $0xFFFF  }
0xc7: {  	_ =	shalt  }

// kernel: sparse-core-data-format-call.cloned.1.call-start
scs
called_computation_lowered:
.L_overlay_start_0:
0x0: {  	s2 =	sld [smem:$0x3FD9]  }
0x1: {  	s3 =	sld [smem:$0x3FFE];
	_ =	sdelay $0x1  }
0x2: {  	s1 =	srdreg.scid  }
0x3: {  	s0 =	sand.u32 $0x1, s1  }
0x4: {  	s18 =	sshll.u32 s0, $0xA;
	s2 =	sadd.s32 s3, s2  }
0x5: {  	s2 =	sadd.s32 s2, s18  }
0x6: {  	[smem:$0x3FC6] =	sst s2  }
0x7: {  	_ = 	snop  }
0x8: {  	s2 =	sld [smem:$0x3FD0];
	(tm) =	ssettm $0x1  }
0x9: {  	s19 =	sld [smem:$0x3FFB];
	_ =	sdelay $0x3  }
0xa: {  	_ =	strace s19  }
0xb: {  	s3 =	sld [smem:$0x3FFC];
	_ =	sdelay $0x3  }
0xc: {  	_ =	strace s3  }
0xd: {  	s3 =	sld [smem:$0x3FFD];
	_ =	sdelay $0x3  }
0xe: {  	_ =	strace s3  }
0xf: {  	_ =	strace $0x8FFFFFFF  }
0x10: {  	s20 =	sld [smem:$0x3FDB];
	_ =	sdelay $0x1  }
0x11: {  	s4 =	simm.s32 $_scs_section_size  }
0x12: {  	s5 =	simm.s32 $_size__tile_overlayer_lowered;
	s6 =	simm.s32 $_tile_overlayer_lowered  }
0x13: {  	s23 =	simm.s32 $0x1BFF;
	s22 =	sshll.u32 s6, $0x1;
	s3 =	sadd.s32 s4, s20  }
0x14: {  	s7 =	simm.s32 $0x0;
	s21 =	sshll.u32 s5, $0x1;
	s5 =	sadd.s32 s22, s3  }
0x15: {  	[timem:s7], [sflag:s23] =	dma.local [hbm:s5], s21  }
0x16: {  	_ =	swait.ge [sflag:s23], s21  }
0x17: {  	s4 =	ssub.s32 $0x0, s21;
	[sflag:s23] =	ssyncset.done $0x0  }
0x18: {  	[sflag:s23] =	ssyncadd.s32 s4;
	_ =	sdelay $0x1  }
0x19: {  	s24 =	simm.s32 $0x1B8B  }
0x1a: {  	_ =	swait.ge [sflag:s24], $0x1  }
0x1b: {  	[sflag:s24] =	ssyncset.done $0x0  }
0x1c: {  	s26 =	simm.s32 $0x1B8E;
	s25 =	sld [smem:$0x3FFE];
	[sflag:s24] =	ssyncadd.s32 $0xFFFFFFFF  }
0x1d: {  	s27 =	simm.s32 $execute0_lowered;
	[smem:$0x3FD2] =	sst s26  }
0x1e: {  	s5 =	sshll.u32 s27, $0x1;
	_ =	strace $0x80000049;
	[dreg:$0x1] =	wrdreg $0xFFFFFFFF  }
0x1f: {  	s28 =	simm.s32 $_size_execute0_lowered;
	s3 =	sadd.s32 s3, s5;
	[dreg:$0x0] =	wrdreg $0x0  }
0x20: {  	s5 =	sshll.u32 s28, $0x1;
	[dreg:$0x2] =	wrdreg s3  }
0x21: {  	[dreg:$0x3] =	wrdreg s5  }
0x22: {  	[dreg:$0x4] =	wrdreg $0xC0  }
0x23: {  	_ =	task [dreg:s7], $0x5FFFF  }
0x24: {  	[dreg:$0x1] =	wrdreg $0xFFFFFFFF  }
0x25: {  	[dreg:$0x0] =	wrdreg $0x60  }
0x26: {  	[dreg:$0x2] =	wrdreg s25  }
0x27: {  	[dreg:$0x3] =	wrdreg s2  }
0x28: {  	[dreg:$0x4] =	wrdreg $0x9  }
0x29: {  	_ =	task.clear_ibuf [dreg:s7], $0x5FFFF;
	_ =	strace $0x90000049  }
0x2a: {  	s29 =	simm.s32 $0x9;
	_ =	strace $0x8000004B  }
0x2b: {  	_ =	swait.ge [sflag:s29], $0x1  }
0x2c: {  	[sflag:s29] =	ssyncadd.s32 $0xFFFFFFFF  }
0x2d: {  	_ =	strace $0x9000004B  }
0x2e: {  	_ =	sfence  }
0x2f: {  	s30 =	sld [smem:$0x0];
	_ =	sdelay $0x2  }
0x30: {  	s31 =	sshll.u32 s1, $0xD;
	s1 =	sshrl.u32 s1, $0x2  }
0x31: {  	s3 =	sand.u32 $0x4000, s31;
	s1 =	sadd.s32 s1, s30  }
0x32: {  	s0 =	sor.u32 s3, s0;
	s1 =	sshll.u32 s1, $0x11  }
0x33: {  	s0 =	sor.u32 s1, s0  }
0x34: {  	s0 =	sadd.s32 $0x8F2B, s0  }
0x35: {  	[sflag:s0] =	ssyncadd.remote.s32 $0x1  }
0x36: {  	_ =	sfence.sel $0xFFFF  }
0x37: {  	[dreg:$0x0] =	wrdreg $0xFFFFFFFF;
	(pc) =	sbr.abs _section_cstart, $3  }
0x38: {  	[dreg:$0x1] =	wrdreg $0xFFFFFFFF  }
0x39: {  	_ =	task.clear_ibuf [dreg:s7], $0x2FFFF;
	_ =	strace $0x9FFFFFFF  }
0x3a: {  	(tm) =	ssettm $0x7FFFFFFF  }
0x3b: {  	_ =	shalt  }
tec
execute0_lowered:
.L_overlay_start_1:
0x0: {  	(tag) =	ssettag $0x1  }
0x1: {  	s0 =	srdreg.scid  }
0x2: {  	s1 =	sshll.u32 s0, $0x4  }
0x3: {  	s0 =	stileid.u32;
	s1 =	sand.u32 $0x10, s1  }
0x4: {  	s1 =	sor.u32 s0, s1  }
0x5: {  	s6 =	rddreg [dreg:$0x0];
	s4 =	simm.s32 $0x1;
	s2 =	sshll.u32 s1, $0x7  }
0x6: {  	s7 =	simm.s32 $0x2;
	s12 =	simm.s32 $0x0;
	s1 =	ssub.s32 $0x4000, s2  }
0x7: {  	s8 =	simm.s32 $0x20000;
	s13 =	simm.s32 $0x0;
	s3 =	sand.u32 $0xF80, s1  }
0x8: {  	s9 =	simm.s32 $0x0;
	s5 =	sshrl.u32 s1, $0xC;
	p0 =	sne.s32 s3, $0x0  }
.Ltmp0:
0x9: {  	s1 =	rddreg [dreg:$0x2];
	s4 =	simm.s32 @!p0 $0x0;
	(pc) =	sbr.rel .LBB1_1-.Ltmp0, $4  }
0xa: {  	s11 =	simm.s32 $0x0;
	s3 =	rddreg [dreg:$0x1];
	s5 =	sadd.s32 s4, s5  }
0xb: {  	_ =	strace $0x8000004A;
	s4 =	simm.s32 $0x1;
	s5 =	smul.u32 $0xC8, s5  }
0xc: {  	s6 =	sadd.s32 $0x127E00, s6;
	s10 =	smov.u32 s2;
	[sflag:s4] =	ssyncpa.u1 $0x0  }
0xd: {  	p0 =	por $0x0, $0x0;
	[sflag:s7] =	ssyncpa.u1 $0x0;
	s7 =	sor.u32 $0x1, s5  }
.LBB1_4:
0xe: {  	s16 =	sshll.u32 s13, $0x3;
	s17 =	sand.u32 $0x78, s13  }
0xf: {  	s30 =	sand.u32 $0x1F800, s13;
	s12 =	sshll.u32 s12, $0x11;
	s16 =	sand.u32 $0x3C00, s16  }
0x10: {  	[tilespmem:s15+$0x810 ss:$0x81] =	vst.msk $0xffff, v2;
	s31 =	sand.u32 $0x7, s13;
	s16 =	sor.u32 s17, s16;
	s17 =	sadd.s32 s3, s30  }
0x11: {  	[tilespmem:s15+$0x1020 ss:$0x81] =	vst.msk $0xffff, v0;
	s13 =	sshll.u32 s31, $0x12;
	s12 =	sadd.s32 s12, s17;
	s16 =	sshrl.u32 s16, $0x3  }
0x12: {  	[tilespmem:s15+$0x0 ss:$0x81] =	vst.msk $0xffff, v1;
	s13 =	sor.u32 $0x400, s13;
	s12 =	sadd.s32 s16, s12  }
0x13: {  	[hbm4b:s12+s13] =	stream.strided.scatter [tilespmem:s14], [sflag:$0x2], $0x2000, s8, s13, $0x20;
	[tilespmem:$0x8080] =	vst v63  }
.LBB1_5:
0x14: {  	s14 =	sadd.s32 $0x1, s9  }
0x15: {  	s12 =	sadd.s32 $0x1000, s10;
	s16 =	smov.u32 s10;
	p2 =	sgt.s32 s14, $0xC7  }
0x16: {  	s16 =	smov.u32 @p2 s12  }
0x17: {  	s14 =	simm.s32 @p2 $0x0;
	p2 =	sgt.s32 s16, $0x3FFF  }
0x18: {  	s16 =	smov.u32 @p2 s2;
	p2 =	sne.s32 s11, s7  }
.Ltmp1:
0x19: {  	p1 =	slt.u32 s11, $0x2;
	(pc) =	sbr.rel @!p2 .LBB1_6-.Ltmp1, $4  }
0x1a: {  	s15 =	simm.s32 @!p1 $0x2  }
0x1b: {  	s13 =	smov.u32 s10;
	p0 =	por !p0, !p0;
	_ =	swait.ge @!p1 [sflag:s15], $0x2000  }
0x1c: {  	s12 =	smov.u32 s9;
	[sflag:s15] =	ssyncset.done @!p1 $0x0;
	s9 =	smov.u32 s14  }
0x1d: {  	s11 =	sadd.s32 $0x1, s11;
	[sflag:s15] =	ssyncadd.s32 @!p1 $0xFFFFE000;
	s10 =	smov.u32 s16  }
.LBB1_1:
0x1e: {  	p1 =	sge.u32 s11, s5  }
0x1f: {  	s14 =	sand.u32 @!p1 $0x1FFFFFF, s9  }
0x20: {  	s15 =	smulhi.u32 @!p1 $0x147AE15, s14;
	_ =	sdelay $0x1  }
0x21: {  	s15 =	smul.u32 @!p1 $0xC8, s15  }
0x22: {  	s16 =	sxor.u32 @!p1 $0xFFFFFFFF, s11;
	s17 =	smul.u32 @!p1 $0xC80, s10  }
0x23: {  	s31 =	sadd.s32 $0xFFFFFFFF, s11;
	s16 =	sshll.u32 @!p1 s16, $0xD;
	s14 =	ssub.s32 @!p1 s14, s15  }
0x24: {  	s15 =	sand.u32 @!p1 $0x2000, s16;
	s16 =	sadd.s32 @!p1 s6, s17;
	s14 =	sshll.u32 @!p1 s14, $0x4  }
0x25: {  	s17 =	simm.s32 @!p1 $0x6400;
	s14 =	sadd.s32 @!p1 s14, s16;
	s16 =	simm.s32 @!p1 $0x40  }
0x26: {  	[tilespmem:s15], [sflag:$0x1] =	stream.strided.gather @!p1 [hbm4b:s14+s16], $0x2000, s17, s16, $0x38;
	[tilespmem:$0x8080] =	vst v63  }
0x27: {  	p1 =	sge.u32 s31, s5  }
.Ltmp2:
0x28: {  	_ = 	snop;
	(pc) =	sbr.rel @p1 .LBB1_5-.Ltmp2, $1  }
0x29: {  	_ =	sdelay $0x3  }
0x2a: {  	s14 =	simm.s32 $0x1  }
0x2b: {  	_ =	swait.ge [sflag:s4], $0x2000;
	s14 =	simm.s32 @!p0 $0x0  }
0x2c: {  	[sflag:s4] =	ssyncset.done $0x0;
	s15 =	sshll.u32 s14, $0xD  }
0x2d: {  	[sflag:s4] =	ssyncadd.s32 $0xFFFFE000;
	s18 =	sor.u32 $0x20, s15  }
0x2e: {  	s14 =	smul.u32 $0x8100, s14;
	v3 =	vld [tilespmem:s18+$0x10]  }
0x2f: {  	s30 =	sand.u32 $0x1, s11;
	v2 =	vld [tilespmem:s18+$0xFFFFFFF0]  }
0x30: {  	s15 =	smul.u32 $0x8100, s30;
	s14 =	sshrl.u32 s14, $0x2;
	v0 =	vld [tilespmem:s18+$0x0]  }
0x31: {  	v1 =	vld [tilespmem:s18+$0xFFFFFFE0];
	s16 =	sor.u32 $0x4000, s14  }
0x32: {  	s31 =	sshrl.u32 s15, $0x2;
	s15 =	sadd.s32 $0x0, s16  }
0x33: {  	s17 =	simm.s32 $0x4;
	s18 =	sadd.s32 $0x40, s18;
	s14 =	sor.u32 $0x4000, s31;
	[tilespmem:s15+$0x1830 ss:$0x81] =	vst.msk $0xffff, v3  }
.LBB1_3:
0x34: {  	v3 =	vld [tilespmem:s18+$0x10];
	p1 =	sne.s32 s17, $0x1FC;
	[tilespmem:s15+$0x810 ss:$0x81] =	vst.msk $0xffff, v2;
	s19 =	smov.u32 s17;
	s17 =	sadd.s32 $0x4, s17  }
.Ltmp3:
0x35: {  	v2 =	vld [tilespmem:s18+$0xFFFFFFF0];
	[tilespmem:s15+$0x1020 ss:$0x81] =	vst.msk $0xffff, v0;
	(pc) =	sbr.rel @p1 .LBB1_3-.Ltmp3, $4  }
0x36: {  	v0 =	vld [tilespmem:s18+$0x0];
	[tilespmem:s15+$0x0 ss:$0x81] =	vst.msk $0xffff, v1  }
0x37: {  	s15 =	sshra.s32 s19, $0x2;
	v1 =	vld [tilespmem:s18+$0xFFFFFFE0]  }
0x38: {  	s15 =	sadd.s32 s15, s16  }
0x39: {  	s18 =	sadd.s32 $0x40, s18;
	[tilespmem:s15+$0x1830 ss:$0x81] =	vst.msk $0xffff, v3  }
.Ltmp4:
0x3a: {  	_ = 	snop;
	(pc) =	sbr.rel .LBB1_4-.Ltmp4, $1  }
0x3b: {  	_ =	sdelay $0x3  }
.LBB1_6:
0x3c: {  	_ =	sfence.sel $0x180000  }
0x3d: {  	s2 =	simm.s32 $0x1;
	[bflag:$0x0] =	sbarrier.arrive $0xFFFF  }
0x3e: {  	s31 =	simm.s32 $0x2;
	[sflag:s2] =	ssyncpa.u1 $0x1  }
0x3f: {  	[sflag:s31] =	ssyncpa.u1 $0x1  }
0x40: {  	p0 =	sne.s32 s0, $0x0;
	_ =	strace $0x9000004A  }
0x41: {  	s0 =	sadd.s32 @!p0 $0x100000, s1;
	[bflag:$0x2] =	sbarrier.arrive $0xFFFF  }
0x42: {  	[sflag:s0] =	ssyncadd.tile.s32 @!p0 $0x1;
	_ =	shalt  }
.Lfunc_end1:
_tile_overlayer_lowered:
.L_overlay_start_2:
0x43: {  	(tag) =	ssettag $0x2  }
0x44: {  	s0 =	rddreg [dreg:$0x0];
	s2 =	stileid.u32  }
0x45: {  	s1 =	rddreg [dreg:$0x1];
	p0 =	sne.s32 s2, $0x0  }
0x46: {  	s3 =	rddreg [dreg:$0x2];
	[bflag:$0x3] =	sbarrier.arrive $0xFFFF;
	s2 =	simm.s32 @!p0 $0x1C01  }
0x47: {  	[timem:s3], [sflag:s2] =	dma.local @!p0 [hbm:s0], s1  }
0x48: {  	s0 =	simm.s32 @!p0 $0x1  }
0x49: {  	_ =	swait.ge @!p0 [sflag:s0], s1  }
0x4a: {  	s1 =	ssub.s32 @!p0 $0x0, s1;
	[sflag:s0] =	ssyncset.done @!p0 $0x0  }
0x4b: {  	[sflag:s0] =	ssyncadd.s32 @!p0 s1  }
0x4c: {  	[bflag:$0x3] =	sbarrier.arrive $0xFFFF  }
0x4d: {  	_ =	shalt  }

</sc_bundles>
